<compile_context>
chip_gen: v7x
topology: tpu7x:2x2x1
jax: 0.10.2.dev20260603
libtpu: 0.0.44.dev20260713+nightly
codegen_flags: <defaults>
</compile_context>

<pallas_src>
import jax
import jax.numpy as jnp
from jax import lax
from jax.experimental import pallas as pl
from jax.experimental.pallas import tpu as pltpu
from jax.experimental.pallas import tpu_sc as plsc

_B, _K, _T = 16, 8, 4096
_S = _T + _K
_R = _B * _K
_W = 32
_RPW = _R // _W
_SPECIAL = 2048.0


def _sc_body(p_hbm, out_hbm, *scratch):
    data_v = scratch[:_RPW]
    out_v = scratch[_RPW:2 * _RPW]
    sem_in, sem_out = scratch[2 * _RPW:]
    cid = lax.axis_index("c")
    sid = lax.axis_index("s")
    wid = sid * 2 + cid
    r0 = wid * _RPW
    iota = lax.iota(jnp.int32, 16)
    ins = [
        pltpu.async_copy(p_hbm.at[r0 + j], data_v[j], sem_in)
        for j in range(_RPW)
    ]
    outs = []
    for j in range(_RPW):
        ins[j].wait()
        r = r0 + j
        dj = data_v[j]
        oj = out_v[j]
        base = iota - 1 - lax.rem(r, _K)
        head = plsc.load_gather(dj, [jnp.maximum(base, 0)])
        oj[pl.ds(0, 16)] = jnp.where(base >= 0, head, _SPECIAL)

        @plsc.parallel_loop(1, _T // 16, unroll=8)
        def _mid(i):
            oj[pl.ds(i * 16, 16)] = plsc.load_gather(dj, [base + i * 16])

        srct = base + (_S - 16)
        tail = plsc.load_gather(dj, [jnp.minimum(srct, _T - 1)])
        oj[pl.ds(_S - 16, 16)] = jnp.where(srct < _T, tail, _SPECIAL)
        outs.append(pltpu.async_copy(oj, out_hbm.at[r], sem_out))
    for d in outs:
        d.wait()


def _mask_body(valid_ref):
    s = lax.broadcasted_iota(jnp.int32, (_K, _S), 1)
    kk = lax.broadcasted_iota(jnp.int32, (_K, _S), 0)
    valid_ref[...] = (s >= 1 + kk) & (s < 1 + kk + _T)


def kernel(prompt):
    p2 = prompt.reshape(_R, _T)
    mesh = plsc.VectorSubcoreMesh(core_axis_name="c", subcore_axis_name="s")
    seq = pl.kernel(
        _sc_body,
        out_type=jax.ShapeDtypeStruct((_R, _S), jnp.float32),
        mesh=mesh,
        scratch_types=(
            [pltpu.VMEM((_T,), jnp.float32) for _ in range(_RPW)]
            + [pltpu.VMEM((_S,), jnp.float32) for _ in range(_RPW)]
            + [pltpu.SemaphoreType.DMA, pltpu.SemaphoreType.DMA]
        ),
        compiler_params=pltpu.CompilerParams(needs_layout_passes=False),
    )(p2)
    valid = pl.pallas_call(
        _mask_body,
        out_shape=jax.ShapeDtypeStruct((_K, _S), jnp.bool_),
    )()
    return seq.reshape(_B, _K, _S), valid

# --- scband reference (transcript-rebuilt; emitter-appended) ---
"""Pipeline reference for scband-context-prompt-processor-80547816669269 (READ-ONLY COPY).

The authoritative reference and input builder live on the scoring server;
editing this copy changes nothing except your own understanding.
"""

import jax, jax.numpy as jnp
import numpy as np

B, K, T = 16, 8, 4096
SPECIAL = 2048.0


def setup_inputs(seed: int = 0) -> dict:
    key = jax.random.key(seed)
    prompt = jax.random.normal(key, (B, K, T), dtype=jnp.float32)
    return {"prompt": prompt}


def reference(prompt):
    # Faithful jax translation of PromptProcessor.interleave with a
    # DelayedPatternProvider(K): codebook k is delayed by k steps, with one
    # initial empty step; invalid positions are filled with special_token.
    Bq, Kq, Tq = prompt.shape
    S = Tq + Kq  # timesteps + max_delay (K-1) + 1 initial empty step
    s = jnp.arange(S)
    k = jnp.arange(Kq)
    # source timestep for codebook k at sequence step s (step 0 is empty)
    tq = s[None, :] - 1 - k[:, None]  # [K, S]
    valid = (tq >= 0) & (tq < Tq)     # [K, S] mask of real tokens
    idx = jnp.clip(tq, 0, Tq - 1)
    gathered = jnp.take_along_axis(
        prompt, jnp.broadcast_to(idx[None, :, :], (Bq, Kq, S)), axis=2
    )
    out = jnp.where(valid[None, :, :], gathered, jnp.asarray(SPECIAL, prompt.dtype))
    # interleave returns (sequence, mask, pattern); pattern is metadata, so we
    # return the interleaved sequence and the validity mask.
    return out, valid

if __name__ == "__main__":
    import jax
    _d = setup_inputs()
    print(jax.jit(kernel)(*tuple(_d.values())))

</pallas_src>

<mosaic_0001>
#map = affine_map<(d0, d1) -> (0, 0)>
module attributes {stable_mosaic.version = 14 : i64} {
  func.func @_sc_body(%arg0: i32, %arg1: i32, %arg2: memref<128x4096xf32, #tpu.memory_space<hbm>>, %arg3: memref<128x4104xf32, #tpu.memory_space<hbm>>, %arg4: memref<4096xf32, #tpu.memory_space<vmem>>, %arg5: memref<4096xf32, #tpu.memory_space<vmem>>, %arg6: memref<4096xf32, #tpu.memory_space<vmem>>, %arg7: memref<4096xf32, #tpu.memory_space<vmem>>, %arg8: memref<4104xf32, #tpu.memory_space<vmem>>, %arg9: memref<4104xf32, #tpu.memory_space<vmem>>, %arg10: memref<4104xf32, #tpu.memory_space<vmem>>, %arg11: memref<4104xf32, #tpu.memory_space<vmem>>, %arg12: memref<!tpu.dma_semaphore, #tpu.memory_space<semaphore_mem>>, %arg13: memref<!tpu.dma_semaphore, #tpu.memory_space<semaphore_mem>>) attributes {dimension_semantics = [#tpu.dimension_semantics<core_parallel>, #tpu.dimension_semantics<subcore_parallel>], iteration_bounds = array<i64: 2, 16>, scalar_prefetch = 0 : i64, scratch_operands = 10 : i64, tpu.core_type = #tpu.core_type<sc_vector_subcore>, window_params = [{transform_indices = #map}, {transform_indices = #map}]} {
    %mul3A = arith.constant 2 : i32
    %mul3A_0 = arith.muli %arg1, %mul3A : i32
    %add3A = arith.addi %mul3A_0, %arg0 : i32
    %mul3A_1 = arith.constant 4 : i32
    %mul3A_2 = arith.muli %add3A, %mul3A_1 : i32
    %iota3A = tpu.iota {dimensions = array<i32: 0>} : vector<16xi32>
    %add3A_3 = arith.constant 0 : i32
    %add3A_4 = arith.addi %mul3A_2, %add3A_3 : i32
    %dma_start3A = arith.constant 0 : i32
    %dma_start3A_5 = tpu.memref_slice %arg2[%add3A_4, %dma_start3A] : memref<128x4096xf32, #tpu.memory_space<hbm>> -> memref<1x4096xf32, #tpu.memory_space<hbm>>
    %dma_start3A_6 = tpu.memref_squeeze %dma_start3A_5 : memref<1x4096xf32, #tpu.memory_space<hbm>> -> memref<4096xf32, #tpu.memory_space<hbm>>
    %dma_start3A_7 = arith.constant 0 : i32
    %dma_start3A_8 = tpu.memref_slice %arg2[%add3A_4, %dma_start3A_7] : memref<128x4096xf32, #tpu.memory_space<hbm>> -> memref<1x4096xf32, #tpu.memory_space<hbm>>
    %dma_start3A_9 = tpu.memref_squeeze %dma_start3A_8 : memref<1x4096xf32, #tpu.memory_space<hbm>> -> memref<4096xf32, #tpu.memory_space<hbm>>
    tpu.enqueue_dma source(%dma_start3A_9 : memref<4096xf32, #tpu.memory_space<hbm>>) target(%arg4 : memref<4096xf32, #tpu.memory_space<vmem>>) target_semaphore(%arg12 : memref<!tpu.dma_semaphore, #tpu.memory_space<semaphore_mem>>)
    %add3A_10 = arith.constant 1 : i32
    %add3A_11 = arith.addi %mul3A_2, %add3A_10 : i32
    %dma_start3A_12 = arith.constant 0 : i32
    %dma_start3A_13 = tpu.memref_slice %arg2[%add3A_11, %dma_start3A_12] : memref<128x4096xf32, #tpu.memory_space<hbm>> -> memref<1x4096xf32, #tpu.memory_space<hbm>>
    %dma_start3A_14 = tpu.memref_squeeze %dma_start3A_13 : memref<1x4096xf32, #tpu.memory_space<hbm>> -> memref<4096xf32, #tpu.memory_space<hbm>>
    %dma_start3A_15 = arith.constant 0 : i32
    %dma_start3A_16 = tpu.memref_slice %arg2[%add3A_11, %dma_start3A_15] : memref<128x4096xf32, #tpu.memory_space<hbm>> -> memref<1x4096xf32, #tpu.memory_space<hbm>>
    %dma_start3A_17 = tpu.memref_squeeze %dma_start3A_16 : memref<1x4096xf32, #tpu.memory_space<hbm>> -> memref<4096xf32, #tpu.memory_space<hbm>>
    tpu.enqueue_dma source(%dma_start3A_17 : memref<4096xf32, #tpu.memory_space<hbm>>) target(%arg5 : memref<4096xf32, #tpu.memory_space<vmem>>) target_semaphore(%arg12 : memref<!tpu.dma_semaphore, #tpu.memory_space<semaphore_mem>>)
    %add3A_18 = arith.constant 2 : i32
    %add3A_19 = arith.addi %mul3A_2, %add3A_18 : i32
    %dma_start3A_20 = arith.constant 0 : i32
    %dma_start3A_21 = tpu.memref_slice %arg2[%add3A_19, %dma_start3A_20] : memref<128x4096xf32, #tpu.memory_space<hbm>> -> memref<1x4096xf32, #tpu.memory_space<hbm>>
    %dma_start3A_22 = tpu.memref_squeeze %dma_start3A_21 : memref<1x4096xf32, #tpu.memory_space<hbm>> -> memref<4096xf32, #tpu.memory_space<hbm>>
    %dma_start3A_23 = arith.constant 0 : i32
    %dma_start3A_24 = tpu.memref_slice %arg2[%add3A_19, %dma_start3A_23] : memref<128x4096xf32, #tpu.memory_space<hbm>> -> memref<1x4096xf32, #tpu.memory_space<hbm>>
    %dma_start3A_25 = tpu.memref_squeeze %dma_start3A_24 : memref<1x4096xf32, #tpu.memory_space<hbm>> -> memref<4096xf32, #tpu.memory_space<hbm>>
    tpu.enqueue_dma source(%dma_start3A_25 : memref<4096xf32, #tpu.memory_space<hbm>>) target(%arg6 : memref<4096xf32, #tpu.memory_space<vmem>>) target_semaphore(%arg12 : memref<!tpu.dma_semaphore, #tpu.memory_space<semaphore_mem>>)
    %add3A_26 = arith.constant 3 : i32
    %add3A_27 = arith.addi %mul3A_2, %add3A_26 : i32
    %dma_start3A_28 = arith.constant 0 : i32
    %dma_start3A_29 = tpu.memref_slice %arg2[%add3A_27, %dma_start3A_28] : memref<128x4096xf32, #tpu.memory_space<hbm>> -> memref<1x4096xf32, #tpu.memory_space<hbm>>
    %dma_start3A_30 = tpu.memref_squeeze %dma_start3A_29 : memref<1x4096xf32, #tpu.memory_space<hbm>> -> memref<4096xf32, #tpu.memory_space<hbm>>
    %dma_start3A_31 = arith.constant 0 : i32
    %dma_start3A_32 = tpu.memref_slice %arg2[%add3A_27, %dma_start3A_31] : memref<128x4096xf32, #tpu.memory_space<hbm>> -> memref<1x4096xf32, #tpu.memory_space<hbm>>
    %dma_start3A_33 = tpu.memref_squeeze %dma_start3A_32 : memref<1x4096xf32, #tpu.memory_space<hbm>> -> memref<4096xf32, #tpu.memory_space<hbm>>
    tpu.enqueue_dma source(%dma_start3A_33 : memref<4096xf32, #tpu.memory_space<hbm>>) target(%arg7 : memref<4096xf32, #tpu.memory_space<vmem>>) target_semaphore(%arg12 : memref<!tpu.dma_semaphore, #tpu.memory_space<semaphore_mem>>)
    %dma_wait3A = arith.constant 0 : i32
    %dma_wait3A_34 = tpu.memref_slice %arg2[%add3A_4, %dma_wait3A] : memref<128x4096xf32, #tpu.memory_space<hbm>> -> memref<1x4096xf32, #tpu.memory_space<hbm>>
    %dma_wait3A_35 = tpu.memref_squeeze %dma_wait3A_34 : memref<1x4096xf32, #tpu.memory_space<hbm>> -> memref<4096xf32, #tpu.memory_space<hbm>>
    %dma_wait3A_36 = arith.constant 0 : i32
    %dma_wait3A_37 = tpu.memref_slice %arg2[%add3A_4, %dma_wait3A_36] : memref<128x4096xf32, #tpu.memory_space<hbm>> -> memref<1x4096xf32, #tpu.memory_space<hbm>>
    %dma_wait3A_38 = tpu.memref_squeeze %dma_wait3A_37 : memref<1x4096xf32, #tpu.memory_space<hbm>> -> memref<4096xf32, #tpu.memory_space<hbm>>
    tpu.wait_dma2 semaphore(%arg12 : memref<!tpu.dma_semaphore, #tpu.memory_space<semaphore_mem>>) src(%dma_wait3A_38 : memref<4096xf32, #tpu.memory_space<hbm>>) dst(%arg4 : memref<4096xf32, #tpu.memory_space<vmem>>)
    %add3A_39 = arith.constant 0 : i32
    %add3A_40 = arith.addi %mul3A_2, %add3A_39 : i32
    %sub3A = arith.constant 1 : i32
    %sub3A_41 = vector.broadcast %sub3A : i32 to vector<16xi32>
    %sub3A_42 = arith.subi %iota3A, %sub3A_41 : vector<16xi32>
    %rem3A = arith.constant 8 : i32
    %rem3A_43 = arith.remsi %add3A_40, %rem3A : i32
    %sub3A_44 = vector.broadcast %rem3A_43 : i32 to vector<16xi32>
    %sub3A_45 = arith.subi %sub3A_42, %sub3A_44 : vector<16xi32>
    %max3A = arith.constant 0 : i32
    %max3A_46 = vector.broadcast %max3A : i32 to vector<16xi32>
    %max3A_47 = arith.maxsi %sub3A_45, %max3A_46 : vector<16xi32>
    %gather3A = tpu.vector_load_idx %arg4[%max3A_47] : memref<4096xf32, #tpu.memory_space<vmem>>[vector<16xi32>], vector<16xf32>,
    %ge3A = arith.constant 0 : i32
    %ge3A_48 = vector.broadcast %ge3A : i32 to vector<16xi32>
    %ge3A_49 = arith.cmpi sge, %sub3A_45, %ge3A_48 : vector<16xi32>
    %jit3A = arith.constant 2.048000e+03 : f32
    %broadcast_in_dim3A = vector.broadcast %jit3A : f32 to vector<16xf32>
    %select_n3A = arith.select %ge3A_49, %gather3A, %broadcast_in_dim3A : vector<16xi1>, vector<16xf32>
    %swap3A = arith.constant 0 : index
    %swap3A_50 = tpu.vector_load %arg8[%swap3A] {strides = array<i32>} : memref<4104xf32, #tpu.memory_space<vmem>>, vector<16xf32>,
    tpu.vector_store %arg8[%swap3A], %select_n3A {strides = array<i32>} : memref<4104xf32, #tpu.memory_space<vmem>>, vector<16xf32>,
    %parallel_loop3A = arith.constant 1 : i32
    %parallel_loop3A_51 = arith.constant 256 : i32
    %parallel_loop3A_52 = arith.constant 1 : i32
    scf.for %parallel_loop3A_249 = %parallel_loop3A to %parallel_loop3A_51 step %parallel_loop3A_52  : i32 {
      %parallel_loop3A_250 = arith.constant 16 : i32
      %parallel_loop3A_251 = arith.muli %parallel_loop3A_249, %parallel_loop3A_250 : i32
      %parallel_loop3A_252 = vector.broadcast %parallel_loop3A_251 : i32 to vector<16xi32>
      %parallel_loop3A_253 = arith.addi %sub3A_45, %parallel_loop3A_252 : vector<16xi32>
      %parallel_loop3A_254 = tpu.vector_load_idx %arg4[%parallel_loop3A_253] : memref<4096xf32, #tpu.memory_space<vmem>>[vector<16xi32>], vector<16xf32>,
      %parallel_loop3A_255 = arith.constant 16 : i32
      %parallel_loop3A_256 = arith.muli %parallel_loop3A_249, %parallel_loop3A_255 : i32
      %parallel_loop3A_257 = arith.index_cast %parallel_loop3A_256 : i32 to index
      %parallel_loop3A_258 = tpu.vector_load %arg8[%parallel_loop3A_257] {strides = array<i32>} : memref<4104xf32, #tpu.memory_space<vmem>>, vector<16xf32>,
      tpu.vector_store %arg8[%parallel_loop3A_257], %parallel_loop3A_254 {strides = array<i32>} : memref<4104xf32, #tpu.memory_space<vmem>>, vector<16xf32>,
    } {sc.loop_unroll_factor = 8 : i64, sc.parallel_access}
    %add3A_53 = arith.constant 4088 : i32
    %add3A_54 = vector.broadcast %add3A_53 : i32 to vector<16xi32>
    %add3A_55 = arith.addi %sub3A_45, %add3A_54 : vector<16xi32>
    %min3A = arith.constant 4095 : i32
    %min3A_56 = vector.broadcast %min3A : i32 to vector<16xi32>
    %min3A_57 = arith.minsi %add3A_55, %min3A_56 : vector<16xi32>
    %gather3A_58 = tpu.vector_load_idx %arg4[%min3A_57] : memref<4096xf32, #tpu.memory_space<vmem>>[vector<16xi32>], vector<16xf32>,
    %lt3A = arith.constant 4096 : i32
    %lt3A_59 = vector.broadcast %lt3A : i32 to vector<16xi32>
    %lt3A_60 = arith.cmpi slt, %add3A_55, %lt3A_59 : vector<16xi32>
    %jit3A_61 = arith.constant 2.048000e+03 : f32
    %broadcast_in_dim3A_62 = vector.broadcast %jit3A_61 : f32 to vector<16xf32>
    %select_n3A_63 = arith.select %lt3A_60, %gather3A_58, %broadcast_in_dim3A_62 : vector<16xi1>, vector<16xf32>
    %swap3A_64 = arith.constant 4088 : index
    %swap3A_65 = tpu.vector_load %arg8[%swap3A_64] {strides = array<i32>} : memref<4104xf32, #tpu.memory_space<vmem>>, vector<16xf32>,
    tpu.vector_store %arg8[%swap3A_64], %select_n3A_63 {strides = array<i32>} : memref<4104xf32, #tpu.memory_space<vmem>>, vector<16xf32>,
    %dma_start3A_66 = arith.constant 0 : i32
    %dma_start3A_67 = tpu.memref_slice %arg3[%add3A_40, %dma_start3A_66] : memref<128x4104xf32, #tpu.memory_space<hbm>> -> memref<1x4104xf32, #tpu.memory_space<hbm>>
    %dma_start3A_68 = tpu.memref_squeeze %dma_start3A_67 : memref<1x4104xf32, #tpu.memory_space<hbm>> -> memref<4104xf32, #tpu.memory_space<hbm>>
    %dma_start3A_69 = arith.constant 0 : i32
    %dma_start3A_70 = tpu.memref_slice %arg3[%add3A_40, %dma_start3A_69] : memref<128x4104xf32, #tpu.memory_space<hbm>> -> memref<1x4104xf32, #tpu.memory_space<hbm>>
    %dma_start3A_71 = tpu.memref_squeeze %dma_start3A_70 : memref<1x4104xf32, #tpu.memory_space<hbm>> -> memref<4104xf32, #tpu.memory_space<hbm>>
    tpu.enqueue_dma source(%arg8 : memref<4104xf32, #tpu.memory_space<vmem>>) target(%dma_start3A_71 : memref<4104xf32, #tpu.memory_space<hbm>>) target_semaphore(%arg13 : memref<!tpu.dma_semaphore, #tpu.memory_space<semaphore_mem>>)
    %dma_wait3A_72 = arith.constant 0 : i32
    %dma_wait3A_73 = tpu.memref_slice %arg2[%add3A_11, %dma_wait3A_72] : memref<128x4096xf32, #tpu.memory_space<hbm>> -> memref<1x4096xf32, #tpu.memory_space<hbm>>
    %dma_wait3A_74 = tpu.memref_squeeze %dma_wait3A_73 : memref<1x4096xf32, #tpu.memory_space<hbm>> -> memref<4096xf32, #tpu.memory_space<hbm>>
    %dma_wait3A_75 = arith.constant 0 : i32
    %dma_wait3A_76 = tpu.memref_slice %arg2[%add3A_11, %dma_wait3A_75] : memref<128x4096xf32, #tpu.memory_space<hbm>> -> memref<1x4096xf32, #tpu.memory_space<hbm>>
    %dma_wait3A_77 = tpu.memref_squeeze %dma_wait3A_76 : memref<1x4096xf32, #tpu.memory_space<hbm>> -> memref<4096xf32, #tpu.memory_space<hbm>>
    tpu.wait_dma2 semaphore(%arg12 : memref<!tpu.dma_semaphore, #tpu.memory_space<semaphore_mem>>) src(%dma_wait3A_77 : memref<4096xf32, #tpu.memory_space<hbm>>) dst(%arg5 : memref<4096xf32, #tpu.memory_space<vmem>>)
    %add3A_78 = arith.constant 1 : i32
    %add3A_79 = arith.addi %mul3A_2, %add3A_78 : i32
    %sub3A_80 = arith.constant 1 : i32
    %sub3A_81 = vector.broadcast %sub3A_80 : i32 to vector<16xi32>
    %sub3A_82 = arith.subi %iota3A, %sub3A_81 : vector<16xi32>
    %rem3A_83 = arith.constant 8 : i32
    %rem3A_84 = arith.remsi %add3A_79, %rem3A_83 : i32
    %sub3A_85 = vector.broadcast %rem3A_84 : i32 to vector<16xi32>
    %sub3A_86 = arith.subi %sub3A_82, %sub3A_85 : vector<16xi32>
    %max3A_87 = arith.constant 0 : i32
    %max3A_88 = vector.broadcast %max3A_87 : i32 to vector<16xi32>
    %max3A_89 = arith.maxsi %sub3A_86, %max3A_88 : vector<16xi32>
    %gather3A_90 = tpu.vector_load_idx %arg5[%max3A_89] : memref<4096xf32, #tpu.memory_space<vmem>>[vector<16xi32>], vector<16xf32>,
    %ge3A_91 = arith.constant 0 : i32
    %ge3A_92 = vector.broadcast %ge3A_91 : i32 to vector<16xi32>
    %ge3A_93 = arith.cmpi sge, %sub3A_86, %ge3A_92 : vector<16xi32>
    %jit3A_94 = arith.constant 2.048000e+03 : f32
    %broadcast_in_dim3A_95 = vector.broadcast %jit3A_94 : f32 to vector<16xf32>
    %select_n3A_96 = arith.select %ge3A_93, %gather3A_90, %broadcast_in_dim3A_95 : vector<16xi1>, vector<16xf32>
    %swap3A_97 = arith.constant 0 : index
    %swap3A_98 = tpu.vector_load %arg9[%swap3A_97] {strides = array<i32>} : memref<4104xf32, #tpu.memory_space<vmem>>, vector<16xf32>,
    tpu.vector_store %arg9[%swap3A_97], %select_n3A_96 {strides = array<i32>} : memref<4104xf32, #tpu.memory_space<vmem>>, vector<16xf32>,
    %parallel_loop3A_99 = arith.constant 1 : i32
    %parallel_loop3A_100 = arith.constant 256 : i32
    %parallel_loop3A_101 = arith.constant 1 : i32
    scf.for %parallel_loop3A_249 = %parallel_loop3A_99 to %parallel_loop3A_100 step %parallel_loop3A_101  : i32 {
      %parallel_loop3A_250 = arith.constant 16 : i32
      %parallel_loop3A_251 = arith.muli %parallel_loop3A_249, %parallel_loop3A_250 : i32
      %parallel_loop3A_252 = vector.broadcast %parallel_loop3A_251 : i32 to vector<16xi32>
      %parallel_loop3A_253 = arith.addi %sub3A_86, %parallel_loop3A_252 : vector<16xi32>
      %parallel_loop3A_254 = tpu.vector_load_idx %arg5[%parallel_loop3A_253] : memref<4096xf32, #tpu.memory_space<vmem>>[vector<16xi32>], vector<16xf32>,
      %parallel_loop3A_255 = arith.constant 16 : i32
      %parallel_loop3A_256 = arith.muli %parallel_loop3A_249, %parallel_loop3A_255 : i32
      %parallel_loop3A_257 = arith.index_cast %parallel_loop3A_256 : i32 to index
      %parallel_loop3A_258 = tpu.vector_load %arg9[%parallel_loop3A_257] {strides = array<i32>} : memref<4104xf32, #tpu.memory_space<vmem>>, vector<16xf32>,
      tpu.vector_store %arg9[%parallel_loop3A_257], %parallel_loop3A_254 {strides = array<i32>} : memref<4104xf32, #tpu.memory_space<vmem>>, vector<16xf32>,
    } {sc.loop_unroll_factor = 8 : i64, sc.parallel_access}
    %add3A_102 = arith.constant 4088 : i32
    %add3A_103 = vector.broadcast %add3A_102 : i32 to vector<16xi32>
    %add3A_104 = arith.addi %sub3A_86, %add3A_103 : vector<16xi32>
    %min3A_105 = arith.constant 4095 : i32
    %min3A_106 = vector.broadcast %min3A_105 : i32 to vector<16xi32>
    %min3A_107 = arith.minsi %add3A_104, %min3A_106 : vector<16xi32>
    %gather3A_108 = tpu.vector_load_idx %arg5[%min3A_107] : memref<4096xf32, #tpu.memory_space<vmem>>[vector<16xi32>], vector<16xf32>,
    %lt3A_109 = arith.constant 4096 : i32
    %lt3A_110 = vector.broadcast %lt3A_109 : i32 to vector<16xi32>
    %lt3A_111 = arith.cmpi slt, %add3A_104, %lt3A_110 : vector<16xi32>
    %jit3A_112 = arith.constant 2.048000e+03 : f32
    %broadcast_in_dim3A_113 = vector.broadcast %jit3A_112 : f32 to vector<16xf32>
    %select_n3A_114 = arith.select %lt3A_111, %gather3A_108, %broadcast_in_dim3A_113 : vector<16xi1>, vector<16xf32>
    %swap3A_115 = arith.constant 4088 : index
    %swap3A_116 = tpu.vector_load %arg9[%swap3A_115] {strides = array<i32>} : memref<4104xf32, #tpu.memory_space<vmem>>, vector<16xf32>,
    tpu.vector_store %arg9[%swap3A_115], %select_n3A_114 {strides = array<i32>} : memref<4104xf32, #tpu.memory_space<vmem>>, vector<16xf32>,
    %dma_start3A_117 = arith.constant 0 : i32
    %dma_start3A_118 = tpu.memref_slice %arg3[%add3A_79, %dma_start3A_117] : memref<128x4104xf32, #tpu.memory_space<hbm>> -> memref<1x4104xf32, #tpu.memory_space<hbm>>
    %dma_start3A_119 = tpu.memref_squeeze %dma_start3A_118 : memref<1x4104xf32, #tpu.memory_space<hbm>> -> memref<4104xf32, #tpu.memory_space<hbm>>
    %dma_start3A_120 = arith.constant 0 : i32
    %dma_start3A_121 = tpu.memref_slice %arg3[%add3A_79, %dma_start3A_120] : memref<128x4104xf32, #tpu.memory_space<hbm>> -> memref<1x4104xf32, #tpu.memory_space<hbm>>
    %dma_start3A_122 = tpu.memref_squeeze %dma_start3A_121 : memref<1x4104xf32, #tpu.memory_space<hbm>> -> memref<4104xf32, #tpu.memory_space<hbm>>
    tpu.enqueue_dma source(%arg9 : memref<4104xf32, #tpu.memory_space<vmem>>) target(%dma_start3A_122 : memref<4104xf32, #tpu.memory_space<hbm>>) target_semaphore(%arg13 : memref<!tpu.dma_semaphore, #tpu.memory_space<semaphore_mem>>)
    %dma_wait3A_123 = arith.constant 0 : i32
    %dma_wait3A_124 = tpu.memref_slice %arg2[%add3A_19, %dma_wait3A_123] : memref<128x4096xf32, #tpu.memory_space<hbm>> -> memref<1x4096xf32, #tpu.memory_space<hbm>>
    %dma_wait3A_125 = tpu.memref_squeeze %dma_wait3A_124 : memref<1x4096xf32, #tpu.memory_space<hbm>> -> memref<4096xf32, #tpu.memory_space<hbm>>
    %dma_wait3A_126 = arith.constant 0 : i32
    %dma_wait3A_127 = tpu.memref_slice %arg2[%add3A_19, %dma_wait3A_126] : memref<128x4096xf32, #tpu.memory_space<hbm>> -> memref<1x4096xf32, #tpu.memory_space<hbm>>
    %dma_wait3A_128 = tpu.memref_squeeze %dma_wait3A_127 : memref<1x4096xf32, #tpu.memory_space<hbm>> -> memref<4096xf32, #tpu.memory_space<hbm>>
    tpu.wait_dma2 semaphore(%arg12 : memref<!tpu.dma_semaphore, #tpu.memory_space<semaphore_mem>>) src(%dma_wait3A_128 : memref<4096xf32, #tpu.memory_space<hbm>>) dst(%arg6 : memref<4096xf32, #tpu.memory_space<vmem>>)
    %add3A_129 = arith.constant 2 : i32
    %add3A_130 = arith.addi %mul3A_2, %add3A_129 : i32
    %sub3A_131 = arith.constant 1 : i32
    %sub3A_132 = vector.broadcast %sub3A_131 : i32 to vector<16xi32>
    %sub3A_133 = arith.subi %iota3A, %sub3A_132 : vector<16xi32>
    %rem3A_134 = arith.constant 8 : i32
    %rem3A_135 = arith.remsi %add3A_130, %rem3A_134 : i32
    %sub3A_136 = vector.broadcast %rem3A_135 : i32 to vector<16xi32>
    %sub3A_137 = arith.subi %sub3A_133, %sub3A_136 : vector<16xi32>
    %max3A_138 = arith.constant 0 : i32
    %max3A_139 = vector.broadcast %max3A_138 : i32 to vector<16xi32>
    %max3A_140 = arith.maxsi %sub3A_137, %max3A_139 : vector<16xi32>
    %gather3A_141 = tpu.vector_load_idx %arg6[%max3A_140] : memref<4096xf32, #tpu.memory_space<vmem>>[vector<16xi32>], vector<16xf32>,
    %ge3A_142 = arith.constant 0 : i32
    %ge3A_143 = vector.broadcast %ge3A_142 : i32 to vector<16xi32>
    %ge3A_144 = arith.cmpi sge, %sub3A_137, %ge3A_143 : vector<16xi32>
    %jit3A_145 = arith.constant 2.048000e+03 : f32
    %broadcast_in_dim3A_146 = vector.broadcast %jit3A_145 : f32 to vector<16xf32>
    %select_n3A_147 = arith.select %ge3A_144, %gather3A_141, %broadcast_in_dim3A_146 : vector<16xi1>, vector<16xf32>
    %swap3A_148 = arith.constant 0 : index
    %swap3A_149 = tpu.vector_load %arg10[%swap3A_148] {strides = array<i32>} : memref<4104xf32, #tpu.memory_space<vmem>>, vector<16xf32>,
    tpu.vector_store %arg10[%swap3A_148], %select_n3A_147 {strides = array<i32>} : memref<4104xf32, #tpu.memory_space<vmem>>, vector<16xf32>,
    %parallel_loop3A_150 = arith.constant 1 : i32
    %parallel_loop3A_151 = arith.constant 256 : i32
    %parallel_loop3A_152 = arith.constant 1 : i32
    scf.for %parallel_loop3A_249 = %parallel_loop3A_150 to %parallel_loop3A_151 step %parallel_loop3A_152  : i32 {
      %parallel_loop3A_250 = arith.constant 16 : i32
      %parallel_loop3A_251 = arith.muli %parallel_loop3A_249, %parallel_loop3A_250 : i32
      %parallel_loop3A_252 = vector.broadcast %parallel_loop3A_251 : i32 to vector<16xi32>
      %parallel_loop3A_253 = arith.addi %sub3A_137, %parallel_loop3A_252 : vector<16xi32>
      %parallel_loop3A_254 = tpu.vector_load_idx %arg6[%parallel_loop3A_253] : memref<4096xf32, #tpu.memory_space<vmem>>[vector<16xi32>], vector<16xf32>,
      %parallel_loop3A_255 = arith.constant 16 : i32
      %parallel_loop3A_256 = arith.muli %parallel_loop3A_249, %parallel_loop3A_255 : i32
      %parallel_loop3A_257 = arith.index_cast %parallel_loop3A_256 : i32 to index
      %parallel_loop3A_258 = tpu.vector_load %arg10[%parallel_loop3A_257] {strides = array<i32>} : memref<4104xf32, #tpu.memory_space<vmem>>, vector<16xf32>,
      tpu.vector_store %arg10[%parallel_loop3A_257], %parallel_loop3A_254 {strides = array<i32>} : memref<4104xf32, #tpu.memory_space<vmem>>, vector<16xf32>,
    } {sc.loop_unroll_factor = 8 : i64, sc.parallel_access}
    %add3A_153 = arith.constant 4088 : i32
    %add3A_154 = vector.broadcast %add3A_153 : i32 to vector<16xi32>
    %add3A_155 = arith.addi %sub3A_137, %add3A_154 : vector<16xi32>
    %min3A_156 = arith.constant 4095 : i32
    %min3A_157 = vector.broadcast %min3A_156 : i32 to vector<16xi32>
    %min3A_158 = arith.minsi %add3A_155, %min3A_157 : vector<16xi32>
    %gather3A_159 = tpu.vector_load_idx %arg6[%min3A_158] : memref<4096xf32, #tpu.memory_space<vmem>>[vector<16xi32>], vector<16xf32>,
    %lt3A_160 = arith.constant 4096 : i32
    %lt3A_161 = vector.broadcast %lt3A_160 : i32 to vector<16xi32>
    %lt3A_162 = arith.cmpi slt, %add3A_155, %lt3A_161 : vector<16xi32>
    %jit3A_163 = arith.constant 2.048000e+03 : f32
    %broadcast_in_dim3A_164 = vector.broadcast %jit3A_163 : f32 to vector<16xf32>
    %select_n3A_165 = arith.select %lt3A_162, %gather3A_159, %broadcast_in_dim3A_164 : vector<16xi1>, vector<16xf32>
    %swap3A_166 = arith.constant 4088 : index
    %swap3A_167 = tpu.vector_load %arg10[%swap3A_166] {strides = array<i32>} : memref<4104xf32, #tpu.memory_space<vmem>>, vector<16xf32>,
    tpu.vector_store %arg10[%swap3A_166], %select_n3A_165 {strides = array<i32>} : memref<4104xf32, #tpu.memory_space<vmem>>, vector<16xf32>,
    %dma_start3A_168 = arith.constant 0 : i32
    %dma_start3A_169 = tpu.memref_slice %arg3[%add3A_130, %dma_start3A_168] : memref<128x4104xf32, #tpu.memory_space<hbm>> -> memref<1x4104xf32, #tpu.memory_space<hbm>>
    %dma_start3A_170 = tpu.memref_squeeze %dma_start3A_169 : memref<1x4104xf32, #tpu.memory_space<hbm>> -> memref<4104xf32, #tpu.memory_space<hbm>>
    %dma_start3A_171 = arith.constant 0 : i32
    %dma_start3A_172 = tpu.memref_slice %arg3[%add3A_130, %dma_start3A_171] : memref<128x4104xf32, #tpu.memory_space<hbm>> -> memref<1x4104xf32, #tpu.memory_space<hbm>>
    %dma_start3A_173 = tpu.memref_squeeze %dma_start3A_172 : memref<1x4104xf32, #tpu.memory_space<hbm>> -> memref<4104xf32, #tpu.memory_space<hbm>>
    tpu.enqueue_dma source(%arg10 : memref<4104xf32, #tpu.memory_space<vmem>>) target(%dma_start3A_173 : memref<4104xf32, #tpu.memory_space<hbm>>) target_semaphore(%arg13 : memref<!tpu.dma_semaphore, #tpu.memory_space<semaphore_mem>>)
    %dma_wait3A_174 = arith.constant 0 : i32
    %dma_wait3A_175 = tpu.memref_slice %arg2[%add3A_27, %dma_wait3A_174] : memref<128x4096xf32, #tpu.memory_space<hbm>> -> memref<1x4096xf32, #tpu.memory_space<hbm>>
    %dma_wait3A_176 = tpu.memref_squeeze %dma_wait3A_175 : memref<1x4096xf32, #tpu.memory_space<hbm>> -> memref<4096xf32, #tpu.memory_space<hbm>>
    %dma_wait3A_177 = arith.constant 0 : i32
    %dma_wait3A_178 = tpu.memref_slice %arg2[%add3A_27, %dma_wait3A_177] : memref<128x4096xf32, #tpu.memory_space<hbm>> -> memref<1x4096xf32, #tpu.memory_space<hbm>>
    %dma_wait3A_179 = tpu.memref_squeeze %dma_wait3A_178 : memref<1x4096xf32, #tpu.memory_space<hbm>> -> memref<4096xf32, #tpu.memory_space<hbm>>
    tpu.wait_dma2 semaphore(%arg12 : memref<!tpu.dma_semaphore, #tpu.memory_space<semaphore_mem>>) src(%dma_wait3A_179 : memref<4096xf32, #tpu.memory_space<hbm>>) dst(%arg7 : memref<4096xf32, #tpu.memory_space<vmem>>)
    %add3A_180 = arith.constant 3 : i32
    %add3A_181 = arith.addi %mul3A_2, %add3A_180 : i32
    %sub3A_182 = arith.constant 1 : i32
    %sub3A_183 = vector.broadcast %sub3A_182 : i32 to vector<16xi32>
    %sub3A_184 = arith.subi %iota3A, %sub3A_183 : vector<16xi32>
    %rem3A_185 = arith.constant 8 : i32
    %rem3A_186 = arith.remsi %add3A_181, %rem3A_185 : i32
    %sub3A_187 = vector.broadcast %rem3A_186 : i32 to vector<16xi32>
    %sub3A_188 = arith.subi %sub3A_184, %sub3A_187 : vector<16xi32>
    %max3A_189 = arith.constant 0 : i32
    %max3A_190 = vector.broadcast %max3A_189 : i32 to vector<16xi32>
    %max3A_191 = arith.maxsi %sub3A_188, %max3A_190 : vector<16xi32>
    %gather3A_192 = tpu.vector_load_idx %arg7[%max3A_191] : memref<4096xf32, #tpu.memory_space<vmem>>[vector<16xi32>], vector<16xf32>,
    %ge3A_193 = arith.constant 0 : i32
    %ge3A_194 = vector.broadcast %ge3A_193 : i32 to vector<16xi32>
    %ge3A_195 = arith.cmpi sge, %sub3A_188, %ge3A_194 : vector<16xi32>
    %jit3A_196 = arith.constant 2.048000e+03 : f32
    %broadcast_in_dim3A_197 = vector.broadcast %jit3A_196 : f32 to vector<16xf32>
    %select_n3A_198 = arith.select %ge3A_195, %gather3A_192, %broadcast_in_dim3A_197 : vector<16xi1>, vector<16xf32>
    %swap3A_199 = arith.constant 0 : index
    %swap3A_200 = tpu.vector_load %arg11[%swap3A_199] {strides = array<i32>} : memref<4104xf32, #tpu.memory_space<vmem>>, vector<16xf32>,
    tpu.vector_store %arg11[%swap3A_199], %select_n3A_198 {strides = array<i32>} : memref<4104xf32, #tpu.memory_space<vmem>>, vector<16xf32>,
    %parallel_loop3A_201 = arith.constant 1 : i32
    %parallel_loop3A_202 = arith.constant 256 : i32
    %parallel_loop3A_203 = arith.constant 1 : i32
    scf.for %parallel_loop3A_249 = %parallel_loop3A_201 to %parallel_loop3A_202 step %parallel_loop3A_203  : i32 {
      %parallel_loop3A_250 = arith.constant 16 : i32
      %parallel_loop3A_251 = arith.muli %parallel_loop3A_249, %parallel_loop3A_250 : i32
      %parallel_loop3A_252 = vector.broadcast %parallel_loop3A_251 : i32 to vector<16xi32>
      %parallel_loop3A_253 = arith.addi %sub3A_188, %parallel_loop3A_252 : vector<16xi32>
      %parallel_loop3A_254 = tpu.vector_load_idx %arg7[%parallel_loop3A_253] : memref<4096xf32, #tpu.memory_space<vmem>>[vector<16xi32>], vector<16xf32>,
      %parallel_loop3A_255 = arith.constant 16 : i32
      %parallel_loop3A_256 = arith.muli %parallel_loop3A_249, %parallel_loop3A_255 : i32
      %parallel_loop3A_257 = arith.index_cast %parallel_loop3A_256 : i32 to index
      %parallel_loop3A_258 = tpu.vector_load %arg11[%parallel_loop3A_257] {strides = array<i32>} : memref<4104xf32, #tpu.memory_space<vmem>>, vector<16xf32>,
      tpu.vector_store %arg11[%parallel_loop3A_257], %parallel_loop3A_254 {strides = array<i32>} : memref<4104xf32, #tpu.memory_space<vmem>>, vector<16xf32>,
    } {sc.loop_unroll_factor = 8 : i64, sc.parallel_access}
    %add3A_204 = arith.constant 4088 : i32
    %add3A_205 = vector.broadcast %add3A_204 : i32 to vector<16xi32>
    %add3A_206 = arith.addi %sub3A_188, %add3A_205 : vector<16xi32>
    %min3A_207 = arith.constant 4095 : i32
    %min3A_208 = vector.broadcast %min3A_207 : i32 to vector<16xi32>
    %min3A_209 = arith.minsi %add3A_206, %min3A_208 : vector<16xi32>
    %gather3A_210 = tpu.vector_load_idx %arg7[%min3A_209] : memref<4096xf32, #tpu.memory_space<vmem>>[vector<16xi32>], vector<16xf32>,
    %lt3A_211 = arith.constant 4096 : i32
    %lt3A_212 = vector.broadcast %lt3A_211 : i32 to vector<16xi32>
    %lt3A_213 = arith.cmpi slt, %add3A_206, %lt3A_212 : vector<16xi32>
    %jit3A_214 = arith.constant 2.048000e+03 : f32
    %broadcast_in_dim3A_215 = vector.broadcast %jit3A_214 : f32 to vector<16xf32>
    %select_n3A_216 = arith.select %lt3A_213, %gather3A_210, %broadcast_in_dim3A_215 : vector<16xi1>, vector<16xf32>
    %swap3A_217 = arith.constant 4088 : index
    %swap3A_218 = tpu.vector_load %arg11[%swap3A_217] {strides = array<i32>} : memref<4104xf32, #tpu.memory_space<vmem>>, vector<16xf32>,
    tpu.vector_store %arg11[%swap3A_217], %select_n3A_216 {strides = array<i32>} : memref<4104xf32, #tpu.memory_space<vmem>>, vector<16xf32>,
    %dma_start3A_219 = arith.constant 0 : i32
    %dma_start3A_220 = tpu.memref_slice %arg3[%add3A_181, %dma_start3A_219] : memref<128x4104xf32, #tpu.memory_space<hbm>> -> memref<1x4104xf32, #tpu.memory_space<hbm>>
    %dma_start3A_221 = tpu.memref_squeeze %dma_start3A_220 : memref<1x4104xf32, #tpu.memory_space<hbm>> -> memref<4104xf32, #tpu.memory_space<hbm>>
    %dma_start3A_222 = arith.constant 0 : i32
    %dma_start3A_223 = tpu.memref_slice %arg3[%add3A_181, %dma_start3A_222] : memref<128x4104xf32, #tpu.memory_space<hbm>> -> memref<1x4104xf32, #tpu.memory_space<hbm>>
    %dma_start3A_224 = tpu.memref_squeeze %dma_start3A_223 : memref<1x4104xf32, #tpu.memory_space<hbm>> -> memref<4104xf32, #tpu.memory_space<hbm>>
    tpu.enqueue_dma source(%arg11 : memref<4104xf32, #tpu.memory_space<vmem>>) target(%dma_start3A_224 : memref<4104xf32, #tpu.memory_space<hbm>>) target_semaphore(%arg13 : memref<!tpu.dma_semaphore, #tpu.memory_space<semaphore_mem>>)
    %dma_wait3A_225 = arith.constant 0 : i32
    %dma_wait3A_226 = tpu.memref_slice %arg3[%add3A_40, %dma_wait3A_225] : memref<128x4104xf32, #tpu.memory_space<hbm>> -> memref<1x4104xf32, #tpu.memory_space<hbm>>
    %dma_wait3A_227 = tpu.memref_squeeze %dma_wait3A_226 : memref<1x4104xf32, #tpu.memory_space<hbm>> -> memref<4104xf32, #tpu.memory_space<hbm>>
    %dma_wait3A_228 = arith.constant 0 : i32
    %dma_wait3A_229 = tpu.memref_slice %arg3[%add3A_40, %dma_wait3A_228] : memref<128x4104xf32, #tpu.memory_space<hbm>> -> memref<1x4104xf32, #tpu.memory_space<hbm>>
    %dma_wait3A_230 = tpu.memref_squeeze %dma_wait3A_229 : memref<1x4104xf32, #tpu.memory_space<hbm>> -> memref<4104xf32, #tpu.memory_space<hbm>>
    tpu.wait_dma2 semaphore(%arg13 : memref<!tpu.dma_semaphore, #tpu.memory_space<semaphore_mem>>) src(%arg8 : memref<4104xf32, #tpu.memory_space<vmem>>) dst(%dma_wait3A_230 : memref<4104xf32, #tpu.memory_space<hbm>>)
    %dma_wait3A_231 = arith.constant 0 : i32
    %dma_wait3A_232 = tpu.memref_slice %arg3[%add3A_79, %dma_wait3A_231] : memref<128x4104xf32, #tpu.memory_space<hbm>> -> memref<1x4104xf32, #tpu.memory_space<hbm>>
    %dma_wait3A_233 = tpu.memref_squeeze %dma_wait3A_232 : memref<1x4104xf32, #tpu.memory_space<hbm>> -> memref<4104xf32, #tpu.memory_space<hbm>>
    %dma_wait3A_234 = arith.constant 0 : i32
    %dma_wait3A_235 = tpu.memref_slice %arg3[%add3A_79, %dma_wait3A_234] : memref<128x4104xf32, #tpu.memory_space<hbm>> -> memref<1x4104xf32, #tpu.memory_space<hbm>>
    %dma_wait3A_236 = tpu.memref_squeeze %dma_wait3A_235 : memref<1x4104xf32, #tpu.memory_space<hbm>> -> memref<4104xf32, #tpu.memory_space<hbm>>
    tpu.wait_dma2 semaphore(%arg13 : memref<!tpu.dma_semaphore, #tpu.memory_space<semaphore_mem>>) src(%arg9 : memref<4104xf32, #tpu.memory_space<vmem>>) dst(%dma_wait3A_236 : memref<4104xf32, #tpu.memory_space<hbm>>)
    %dma_wait3A_237 = arith.constant 0 : i32
    %dma_wait3A_238 = tpu.memref_slice %arg3[%add3A_130, %dma_wait3A_237] : memref<128x4104xf32, #tpu.memory_space<hbm>> -> memref<1x4104xf32, #tpu.memory_space<hbm>>
    %dma_wait3A_239 = tpu.memref_squeeze %dma_wait3A_238 : memref<1x4104xf32, #tpu.memory_space<hbm>> -> memref<4104xf32, #tpu.memory_space<hbm>>
    %dma_wait3A_240 = arith.constant 0 : i32
    %dma_wait3A_241 = tpu.memref_slice %arg3[%add3A_130, %dma_wait3A_240] : memref<128x4104xf32, #tpu.memory_space<hbm>> -> memref<1x4104xf32, #tpu.memory_space<hbm>>
    %dma_wait3A_242 = tpu.memref_squeeze %dma_wait3A_241 : memref<1x4104xf32, #tpu.memory_space<hbm>> -> memref<4104xf32, #tpu.memory_space<hbm>>
    tpu.wait_dma2 semaphore(%arg13 : memref<!tpu.dma_semaphore, #tpu.memory_space<semaphore_mem>>) src(%arg10 : memref<4104xf32, #tpu.memory_space<vmem>>) dst(%dma_wait3A_242 : memref<4104xf32, #tpu.memory_space<hbm>>)
    %dma_wait3A_243 = arith.constant 0 : i32
    %dma_wait3A_244 = tpu.memref_slice %arg3[%add3A_181, %dma_wait3A_243] : memref<128x4104xf32, #tpu.memory_space<hbm>> -> memref<1x4104xf32, #tpu.memory_space<hbm>>
    %dma_wait3A_245 = tpu.memref_squeeze %dma_wait3A_244 : memref<1x4104xf32, #tpu.memory_space<hbm>> -> memref<4104xf32, #tpu.memory_space<hbm>>
    %dma_wait3A_246 = arith.constant 0 : i32
    %dma_wait3A_247 = tpu.memref_slice %arg3[%add3A_181, %dma_wait3A_246] : memref<128x4104xf32, #tpu.memory_space<hbm>> -> memref<1x4104xf32, #tpu.memory_space<hbm>>
    %dma_wait3A_248 = tpu.memref_squeeze %dma_wait3A_247 : memref<1x4104xf32, #tpu.memory_space<hbm>> -> memref<4104xf32, #tpu.memory_space<hbm>>
    tpu.wait_dma2 semaphore(%arg13 : memref<!tpu.dma_semaphore, #tpu.memory_space<semaphore_mem>>) src(%arg11 : memref<4104xf32, #tpu.memory_space<vmem>>) dst(%dma_wait3A_248 : memref<4104xf32, #tpu.memory_space<hbm>>)
    return
  }
}

module attributes {stable_mosaic.version = 14 : i64} {
  func.func @_mask_body(%arg0: memref<8x4104xi32, #tpu.memory_space<vmem>>) attributes {dimension_semantics = [], scalar_prefetch = 0 : i64, scratch_operands = 0 : i64, tpu.core_type = #tpu.core_type<tc>} {
    %iota3A = tpu.iota {dimensions = array<i32: 1>} : vector<8x4104xi32>
    %iota3A_0 = tpu.iota {dimensions = array<i32: 0>} : vector<8x4104xi32>
    %add3A = arith.constant 1 : i32
    %add3A_1 = vector.broadcast %add3A : i32 to vector<8x4104xi32>
    %add3A_2 = arith.addi %add3A_1, %iota3A_0 : vector<8x4104xi32>
    %ge3A = arith.cmpi sge, %iota3A, %add3A_2 : vector<8x4104xi32>
    %add3A_3 = arith.constant 1 : i32
    %add3A_4 = vector.broadcast %add3A_3 : i32 to vector<8x4104xi32>
    %add3A_5 = arith.addi %add3A_4, %iota3A_0 : vector<8x4104xi32>
    %add3A_6 = arith.constant 4096 : i32
    %add3A_7 = vector.broadcast %add3A_6 : i32 to vector<8x4104xi32>
    %add3A_8 = arith.addi %add3A_5, %add3A_7 : vector<8x4104xi32>
    %lt3A = arith.cmpi slt, %iota3A, %add3A_8 : vector<8x4104xi32>
    %and3A = arith.andi %ge3A, %lt3A : vector<8x4104xi1>
    %swap3A = arith.constant 0 : index
    %swap3A_9 = arith.constant 0 : index
    %swap3A_10 = vector.load %arg0[%swap3A, %swap3A_9] : memref<8x4104xi32, #tpu.memory_space<vmem>>, vector<8x4104xi32>
    %swap3A_11 = arith.extui %and3A : vector<8x4104xi1> to vector<8x4104xi32>
    %swap3A_12 = arith.constant dense<0> : vector<8x4104xi32>
    %swap3A_13 = arith.cmpi ne, %swap3A_10, %swap3A_12 : vector<8x4104xi32>
    tpu.vector_store %arg0[%swap3A, %swap3A_9], %swap3A_11 {strides = array<i32>} : memref<8x4104xi32, #tpu.memory_space<vmem>>, vector<8x4104xi32>,
    return
  }
}

</mosaic_0001>

<sc_bundles>
// kernel: kernel.4.cloned.1.call-start
scs
__scs_entry_jumppad:
0x0: {  	(pc) =	sbr.rel $0x88, $3  }
0x1: {  	(tag) =	ssettag $0x0;
	lr =	simm.s32 $0x1  }
0x2: {  	[smem:$0x3FA0] =	sst lr;
	_ =	strace $0xD0000000  }
0x3: {  	_ = 	snop  }
0x4: {  	_ = 	snop  }
0x5: {  	_ = 	snop  }
0x6: {  	_ = 	snop  }
0x7: {  	_ = 	snop  }
__scs_overlays_trampoline_lowered:
0x8: {  	[smem:$0x3FAF] =	sst s0  }
0x9: {  	[smem:$0x3FB0] =	sst s1  }
0xa: {  	[smem:$0x3FB1] =	sst s2  }
0xb: {  	[smem:$0x3FB2] =	sst s3  }
0xc: {  	[smem:$0x3FB3] =	sst s4  }
0xd: {  	[smem:$0x3FB4] =	sst s5  }
0xe: {  	[smem:$0x3FB5] =	sst s6  }
0xf: {  	[smem:$0x3FB6] =	sst s7  }
0x10: {  	[smem:$0x3FB7] =	sst s8  }
0x11: {  	[smem:$0x3FB8] =	sst s9;
	s0 =	simm.s32 @!p0 $0x0  }
0x12: {  	s1 =	sld [smem:$0x3F9E];
	s0 =	simm.s32 @p0 $0x1  }
0x13: {  	[smem:$0x3FB9] =	sst s0;
	s0 =	simm.s32 @!p1 $0x0  }
0x14: {  	s2 =	sld [smem:$0x3F9D];
	s0 =	simm.s32 @p1 $0x1  }
0x15: {  	[smem:$0x3FBA] =	sst s0;
	s0 =	simm.s32 @!p2 $0x0  }
0x16: {  	s3 =	sld [smem:$0x3FDB];
	s0 =	simm.s32 @p2 $0x1  }
0x17: {  	s4 =	simm.s32 $0x1BF5;
	[smem:$0x3FBC] =	sst s0  }
0x18: {  	s0 =	sld [smem:$0x3F9F];
	_ =	swait.ge [sflag:s4], $0x0  }
0x19: {  	s7 =	sld [smem:$0x3FA0]  }
0x1a: {  	s8 =	sadd.s32 $0xFFFFE003, lr  }
0x1b: {  	s9 =	sadd.s32 $0xFFFFFEF7, lr;
	s5 =	simm.s32 $0xFFFFFFFF;
	p2 =	slt.u32 s8, $0xFFFFF086  }
0x1c: {  	p1 =	slt.u32 s9, $0xF7A;
	s5 =	simm.s32 @!p2 $0x0  }
0x1d: {  	s5 =	simm.s32 @p1 $0x1;
	p0 =	seq.s32 s7, s2  }
0x1e: {  	s7 =	smul.u32 @!p0 $0xF7A, s2;
	p2 =	seq.s32 @!p0 s5, $0x0  }
0x1f: {  	s9 =	smul.u32 $0xF7A, s1;
	s8 =	simm.s32 @!p0 $0x1BF5;
	p2 =	por !p2, p0  }
0x20: {  	[sflag:s8] =	ssyncset.s32 @!p0 $0xFFFFF086;
	s6 =	sadd.s32 @!p0 s3, s7;
	s7 =	simm.s32 @!p0 $0x108  }
0x21: {  	s3 =	sadd.s32 s3, s9;
	s6 =	sadd.s32 @!p0 $0x88, s6;
	s7 =	simm.s32 @p2 $0x1082  }
0x22: {  	[simem:s7], [sflag:s8] =	dma.local @!p0 [hbm:s6], $0xF7A  }
0x23: {  	s9 =	sor.u32 $0xD0000000, s2;
	s6 =	simm.s32 $0x108;
	_ =	swait.ge @!p0 [sflag:s8], $0x0  }
0x24: {  	s3 =	sadd.s32 $0x88, s3;
	s6 =	simm.s32 @!p1 $0x1082;
	[sflag:s4] =	ssyncset.s32 $0xFFFFF086  }
0x25: {  	[simem:s6], [sflag:s4] =	dma.local [hbm:s3], $0xF7A  }
0x26: {  	[smem:$0x3FA0] =	sst s1;
	(tag) =	ssettag s2;
	_ =	strace s9  }
0x27: {  	s1 =	sld [smem:$0x3FB0]  }
0x28: {  	s2 =	sld [smem:$0x3FB1]  }
0x29: {  	s4 =	sld [smem:$0x3FB3]  }
0x2a: {  	p0 =	seq.s32 s5, $0x0;
	s5 =	sld [smem:$0x3FB4]  }
0x2b: {  	s6 =	sld [smem:$0x3FB5]  }
0x2c: {  	s7 =	sld [smem:$0x3FB6]  }
0x2d: {  	s3 =	simm.s32 $0x108;
	s8 =	sld [smem:$0x3FB7]  }
0x2e: {  	s3 =	simm.s32 @!p0 $0x1082;
	s9 =	sld [smem:$0x3FB8]  }
0x2f: {  	lr =	sadd.s32 s0, s3;
	s0 =	sld [smem:$0x3FAF]  }
0x30: {  	s3 =	sld [smem:$0x3FB2]  }
0x31: {  	[smem:$0x3FBB] =	sst s10  }
0x32: {  	s10 =	sld [smem:$0x3FB9];
	_ =	sdelay $0x3  }
0x33: {  	p0 =	seq.s32 s10, $0x1;
	s10 =	sld [smem:$0x3FBB];
	_ =	sdelay $0x3  }
0x34: {  	[smem:$0x3FBB] =	sst s10  }
0x35: {  	s10 =	sld [smem:$0x3FBA];
	_ =	sdelay $0x3  }
0x36: {  	p1 =	seq.s32 s10, $0x1;
	s10 =	sld [smem:$0x3FBB];
	_ =	sdelay $0x3  }
0x37: {  	[smem:$0x3FBB] =	sst s10  }
0x38: {  	s10 =	sld [smem:$0x3FBC]  }
0x39: {  	_ = 	snop;
	(pc) =	sbr.ind lr, $3  }
0x3a: {  	_ = 	snop  }
0x3b: {  	_ = 	snop  }
0x3c: {  	p2 =	seq.s32 s10, $0x1;
	s10 =	sld [smem:$0x3FBB]  }
0x3d: {  	_ =	shalt  }
0x3e: {  	_ =	shalt  }
0x3f: {  	_ =	shalt  }
0x40: {  	_ =	shalt  }
0x41: {  	_ =	shalt  }
0x42: {  	_ =	shalt  }
0x43: {  	_ =	shalt  }
0x44: {  	_ =	shalt  }
0x45: {  	_ =	shalt  }
0x46: {  	_ =	shalt  }
0x47: {  	_ =	shalt  }
0x48: {  	_ =	shalt  }
0x49: {  	_ =	shalt  }
0x4a: {  	_ =	shalt  }
0x4b: {  	_ =	shalt  }
0x4c: {  	_ =	shalt  }
0x4d: {  	_ =	shalt  }
0x4e: {  	_ =	shalt  }
0x4f: {  	_ =	shalt  }
0x50: {  	_ =	shalt  }
0x51: {  	_ =	shalt  }
0x52: {  	_ =	shalt  }
0x53: {  	_ =	shalt  }
0x54: {  	_ =	shalt  }
0x55: {  	_ =	shalt  }
0x56: {  	_ =	shalt  }
0x57: {  	_ =	shalt  }
0x58: {  	_ =	shalt  }
0x59: {  	_ =	shalt  }
0x5a: {  	_ =	shalt  }
0x5b: {  	_ =	shalt  }
0x5c: {  	_ =	shalt  }
0x5d: {  	_ =	shalt  }
0x5e: {  	_ =	shalt  }
0x5f: {  	_ =	shalt  }
0x60: {  	_ =	shalt  }
0x61: {  	_ =	shalt  }
0x62: {  	_ =	shalt  }
0x63: {  	_ =	shalt  }
0x64: {  	_ =	shalt  }
0x65: {  	_ =	shalt  }
0x66: {  	_ =	shalt  }
0x67: {  	_ =	shalt  }
0x68: {  	_ =	shalt  }
0x69: {  	_ =	shalt  }
0x6a: {  	_ =	shalt  }
0x6b: {  	_ =	shalt  }
0x6c: {  	_ =	shalt  }
0x6d: {  	_ =	shalt  }
0x6e: {  	_ =	shalt  }
0x6f: {  	_ =	shalt  }
0x70: {  	_ =	shalt  }
0x71: {  	_ =	shalt  }
0x72: {  	_ =	shalt  }
0x73: {  	_ =	shalt  }
0x74: {  	_ =	shalt  }
0x75: {  	_ =	shalt  }
0x76: {  	_ =	shalt  }
0x77: {  	_ =	shalt  }
0x78: {  	_ =	shalt  }
0x79: {  	_ =	shalt  }
0x7a: {  	_ =	shalt  }
0x7b: {  	_ =	shalt  }
0x7c: {  	_ =	shalt  }
0x7d: {  	_ =	shalt  }
0x7e: {  	_ =	shalt  }
0x7f: {  	_ =	shalt  }
0x80: {  	_ =	shalt  }
0x81: {  	_ =	shalt  }
0x82: {  	_ =	shalt  }
0x83: {  	_ =	shalt  }
0x84: {  	_ =	shalt  }
0x85: {  	_ =	shalt  }
0x86: {  	_ =	shalt  }
0x87: {  	_ =	shalt  }
.Lfunc_end0:
.L_simem_size_0:
called_computation_lowered:
.L_overlay_start_0:
0x88: {  	s2 =	sld [smem:$0x3FD9]  }
0x89: {  	s3 =	sld [smem:$0x3FFE];
	_ =	sdelay $0x1  }
0x8a: {  	s1 =	srdreg.scid  }
0x8b: {  	s0 =	sand.u32 $0x1, s1  }
0x8c: {  	s15 =	sshll.u32 s0, $0xA;
	s2 =	sadd.s32 s3, s2  }
0x8d: {  	s2 =	sadd.s32 s2, s15  }
0x8e: {  	[smem:$0x3FC7] =	sst s2  }
0x8f: {  	_ = 	snop  }
0x90: {  	s2 =	sld [smem:$0x3FD0];
	_ =	sdelay $0x2  }
0x91: {  	s4 =	simm.s32 $0xA;
	s5 =	simm.s32 $0x10;
	s16 =	sld [smem:$0x3FC9]  }
0x92: {  	[smem:s5], [sflag:s4] =	dma.local [hbm:s2], $0x1  }
0x93: {  	_ =	swait.eq [sflag:s4], $0x1  }
0x94: {  	[sflag:s4] =	ssyncset.done $0x0  }
0x95: {  	[sflag:s4] =	ssyncadd.s32 $0xFFFFFFFF  }
0x96: {  	s17 =	sld [smem:$0x10];
	(tm) =	ssettm $0x1  }
0x97: {  	s18 =	sld [smem:$0x3FFB];
	_ =	sdelay $0x3  }
0x98: {  	_ =	strace s18  }
0x99: {  	s4 =	sld [smem:$0x3FFC];
	_ =	sdelay $0x3  }
0x9a: {  	_ =	strace s4  }
0x9b: {  	s4 =	sld [smem:$0x3FFD];
	_ =	sdelay $0x3  }
0x9c: {  	_ =	strace s4  }
0x9d: {  	_ =	strace $0x8FFFFFFF  }
0x9e: {  	s19 =	sld [smem:$0x3FDB];
	_ =	sdelay $0x1  }
0x9f: {  	s20 =	simm.s32 $_scs_section_size  }
0xa0: {  	s6 =	simm.s32 $_size__tile_overlayer_lowered;
	s7 =	simm.s32 $_tile_overlayer_lowered  }
0xa1: {  	s23 =	simm.s32 $0x1BFF;
	s22 =	sshll.u32 s7, $0x1;
	s4 =	sadd.s32 s20, s19  }
0xa2: {  	s8 =	simm.s32 $0x0;
	s21 =	sshll.u32 s6, $0x1;
	s6 =	sadd.s32 s22, s4  }
0xa3: {  	[timem:s8], [sflag:s23] =	dma.local [hbm:s6], s21  }
0xa4: {  	_ =	swait.ge [sflag:s23], s21  }
0xa5: {  	s5 =	ssub.s32 $0x0, s21;
	[sflag:s23] =	ssyncset.done $0x0  }
0xa6: {  	[sflag:s23] =	ssyncadd.s32 s5;
	_ =	sdelay $0x1  }
0xa7: {  	s24 =	simm.s32 $0x1B8B  }
0xa8: {  	_ =	swait.ge [sflag:s24], $0x1  }
0xa9: {  	[sflag:s24] =	ssyncset.done $0x0  }
0xaa: {  	s25 =	simm.s32 $0x1B8E;
	[sflag:s24] =	ssyncadd.s32 $0xFFFFFFFF  }
0xab: {  	s26 =	simm.s32 $execute0_lowered;
	[smem:$0x3FD2] =	sst s25  }
0xac: {  	s5 =	sshll.u32 s26, $0x1;
	_ =	strace $0x80000046;
	[dreg:$0x1] =	wrdreg $0xFFFFFFFF  }
0xad: {  	s28 =	simm.s32 $_size_execute0_lowered;
	s4 =	sadd.s32 s4, s5;
	[dreg:$0x0] =	wrdreg $0x0  }
0xae: {  	s5 =	sshll.u32 s28, $0x1;
	[dreg:$0x2] =	wrdreg s4  }
0xaf: {  	[dreg:$0x3] =	wrdreg s5  }
0xb0: {  	[dreg:$0x4] =	wrdreg $0xC0  }
0xb1: {  	_ =	task [dreg:s8], $0x5FFFF  }
0xb2: {  	[dreg:$0x1] =	wrdreg $0xFFFFFFFF  }
0xb3: {  	[dreg:$0x0] =	wrdreg $0x60  }
0xb4: {  	[dreg:$0x2] =	wrdreg s16  }
0xb5: {  	[dreg:$0x3] =	wrdreg s17  }
0xb6: {  	[dreg:$0x4] =	wrdreg $0x9  }
0xb7: {  	_ =	task.clear_ibuf [dreg:s8], $0x5FFFF;
	_ =	strace $0x90000046  }
0xb8: {  	s29 =	simm.s32 $0x9;
	_ =	strace $0x80000048  }
0xb9: {  	_ =	swait.ge [sflag:s29], $0x1  }
0xba: {  	[sflag:s29] =	ssyncadd.s32 $0xFFFFFFFF  }
0xbb: {  	_ =	strace $0x90000048  }
0xbc: {  	_ =	sfence  }
0xbd: {  	s30 =	sld [smem:$0x0];
	_ =	sdelay $0x2  }
0xbe: {  	s31 =	sshll.u32 s1, $0xD;
	s1 =	sshrl.u32 s1, $0x2  }
0xbf: {  	s3 =	sand.u32 $0x4000, s31;
	s1 =	sadd.s32 s1, s30  }
0xc0: {  	s0 =	sor.u32 s3, s0;
	s1 =	sshll.u32 s1, $0x11  }
0xc1: {  	s0 =	sor.u32 s1, s0  }
0xc2: {  	s0 =	sadd.s32 $0x8F2B, s0  }
0xc3: {  	[sflag:s0] =	ssyncadd.remote.s32 $0x1  }
0xc4: {  	_ =	sfence.sel $0xFFFF  }
0xc5: {  	[dreg:$0x0] =	wrdreg $0xFFFFFFFF;
	(pc) =	sbr.abs _section_cstart, $3  }
0xc6: {  	[dreg:$0x1] =	wrdreg $0xFFFFFFFF  }
0xc7: {  	_ =	task.clear_ibuf [dreg:s8], $0x2FFFF;
	_ =	strace $0x9FFFFFFF  }
0xc8: {  	(tm) =	ssettm $0x7FFFFFFF  }
0xc9: {  	_ =	shalt  }
tec
execute0_lowered:
.L_overlay_start_1:
0x0: {  	(tag) =	ssettag $0x1  }
0x1: {  	s6 =	rddreg [dreg:$0x0]  }
0x2: {  	s10 =	rddreg [dreg:$0x1]  }
0x3: {  	s0 =	rddreg [dreg:$0x2];
	s2 =	simm.s32 $0x0;
	s3 =	srdreg.scid  }
0x4: {  	s1 =	stileid.u32;
	[smem:$0x7FF] =	sst s2;
	s8 =	sand.u32 $0x1, s3  }
0x5: {  	s4 =	sshll.u32 s1, $0x3;
	s12 =	sshll.u32 s1, $0xF;
	s3 =	ssub.s32 $0x2, s8  }
0x6: {  	s5 =	sshll.u32 s8, $0x2;
	_ =	strace $0x80000047;
	s31 =	sshll.u32 s8, $0x9  }
0x7: {  	s8 =	sshllo.u32 s8, $0x2;
	s7 =	sshrl.u32 s3, $0x1;
	s4 =	sor.u32 s5, s4  }
0x8: {  	s17 =	sor.u32 s31, s12;
	s11 =	ssub.s32 s3, s7;
	s9 =	sor.u32 $0x1, s4  }
0x9: {  	s13 =	sor.u32 $0x2, s4;
	s4 =	sshrl.u32 s17, $0x3;
	s17 =	sor.u32 $0x180, s31  }
0xa: {  	s16 =	sshll.u32 s9, $0x7;
	s18 =	sshll.u32 s13, $0x7;
	s3 =	sadd.s32 s6, s4  }
0xb: {  	v1 =	vlaneseq.u32;
	s21 =	sand.u32 $0x5, s9;
	s24 =	sand.u32 $0x6, s13;
	s11 =	smax.u32 s11, $0x1  }
0xc: {  	v7 =	vadd.s32 $0xFFFFFFFF, v1;
	s13 =	simm.s32 $0x1000;
	s14 =	sand.u32 $0x280, s16;
	s16 =	sand.u32 $0x300, s18  }
0xd: {  	v11 =	vadd.s32 $0xFF7, v1;
	v3 =	vmov s5;
	s18 =	smul.u32 $0x8400, s1;
	v5 =	vmov s21;
	s21 =	simm.s32 $0x7180;
	s15 =	sor.u32 s12, s14  }
0xe: {  	v14 =	vmov s8;
	v0 =	vsub.s32 v7, v3;
	v12 =	vsub.s32 v11, v3;
	s20 =	sor.u32 s12, s16;
	s12 =	sor.u32 s12, s17;
	s19 =	sshrl.u32 s15, $0x3  }
0xf: {  	vm0 =	vgt.s32 v0, $0x0;
	v3 =	vmin.u32 v12, $0xFFF;
	vm2 =	vlt.u32 v12, $0x1000;
	s22 =	sshrl.u32 s20, $0x3;
	s23 =	sshrl.u32 s12, $0x3;
	s7 =	sor.u32 s31, s18  }
0x10: {  	v2 =	vnsel vm0, $0x0, v0;
	v9 =	vmov s24;
	v1 =	vsub.s32 v7, v5;
	s25 =	sor.u32 s18, s14;
	s28 =	sor.u32 s18, s16;
	s29 =	sor.u32 s18, s17  }
0x11: {  	v13 =	vsub.s32 v11, v5;
	v5 =	vsub.s32 v7, v9;
	v7 =	vsub.s32 v7, v14;
	s12 =	simm.s32 $0x400;
	s14 =	simm.s32 $0x2000;
	s15 =	simm.s32 $0x3000  }
0x12: {  	v15 =	vsub.s32 v11, v9;
	v14 =	vsub.s32 v11, v14;
	vm0 =	vgt.s32 v1, $0x0;
	s16 =	simm.s32 $0x1;
	s17 =	simm.s32 $0x4000;
	s18 =	simm.s32 $0x5080  }
0x13: {  	v6 =	vmin.u32 v13, $0xFFF;
	v9 =	vmin.u32 v15, $0xFFF;
	v11 =	vmin.u32 v14, $0xFFF;
	s20 =	simm.s32 $0x80;
	s4 =	sadd.s32 s6, s19;
	s5 =	sadd.s32 s6, s22  }
0x14: {  	vm1 =	vgt.s32 v1, $0xFFFFFFFF;
	vm3 =	vgt.s32 v5, $0xFFFFFFFF;
	vm4 =	vlt.u32 v13, $0x1000;
	s6 =	sadd.s32 s6, s23;
	s7 =	sshrl.u32 s7, $0x3;
	s26 =	sshrl.u32 s25, $0x3  }
0x15: {  	vm5 =	vgt.s32 v7, $0xFFFFFFFF;
	v4 =	vnsel vm0, $0x0, v1;
	vm0 =	vgt.s32 v5, $0x0;
	s30 =	sshrl.u32 s28, $0x3;
	s31 =	sshrl.u32 s29, $0x3;
	s19 =	simm.s32 $0x6100  }
0x16: {  	vm6 =	vlt.u32 v15, $0x1000;
	s22 =	simm.s32 $0x2;
	s23 =	simm.s32 $0x0;
	s7 =	sadd.s32 s10, s7;
	v8 =	vnsel vm0, $0x0, v5;
	vm0 =	vgt.s32 v7, $0x0  }
0x17: {  	vm7 =	vlt.u32 v14, $0x1000;
	s8 =	sadd.s32 s10, s26;
	s9 =	sadd.s32 s10, s30;
	s10 =	sadd.s32 s10, s31;
	v10 =	vnsel vm0, $0x0, v7;
	vm0 =	vgt.s32 v0, $0xFFFFFFFF  }
.LBB2_1:
0x18: {  	[tilespmem:s2], [sflag:$0x1] =	stream.strided.gather [hbm4b:s3+s20], $0x1000, s12, s20, $0x38;
	[tilespmem:$0x8200] =	vst v63  }
0x19: {  	_ = 	snop  }
0x1a: {  	[tilespmem:s13], [sflag:$0x1] =	stream.strided.gather [hbm4b:s4+s20], $0x1000, s12, s20, $0x38;
	[tilespmem:$0x8200] =	vst v63  }
0x1b: {  	_ = 	snop  }
0x1c: {  	[tilespmem:s14], [sflag:$0x1] =	stream.strided.gather [hbm4b:s5+s20], $0x1000, s12, s20, $0x38;
	[tilespmem:$0x8200] =	vst v63  }
0x1d: {  	_ = 	snop  }
0x1e: {  	[tilespmem:s15], [sflag:$0x1] =	stream.strided.gather [hbm4b:s6+s20], $0x1000, s12, s20, $0x38;
	[tilespmem:$0x8200] =	vst v63  }
0x1f: {  	_ =	swait.ge [sflag:s16], $0x1000  }
0x20: {  	[sflag:s16] =	ssyncset.done $0x0  }
0x21: {  	[sflag:s16] =	ssyncadd.s32 $0xFFFFF000  }
0x22: {  	v12 =	vld.idx.msk [tilespmem:v2+s2+$0x0], $0xffff;
	_ =	sdelay $0x1  }
0x23: {  	s24 =	simm.s32 $0x70;
	v13 =	vadd.s32 s20, v0  }
0x24: {  	s25 =	simm.s32 $0x20;
	v14 =	vadd.s32 s24, v0  }
0x25: {  	s26 =	simm.s32 $0x30;
	v15 =	vadd.s32 s25, v0  }
0x26: {  	s28 =	simm.s32 $0x10;
	v16 =	vadd.s32 s26, v0;
	v12 =	vnsel vm0, $0x45000000, v12  }
0x27: {  	s29 =	simm.s32 $0x40;
	v17 =	vadd.s32 s28, v0;
	[tilespmem:$0x4000] =	vst v12  }
0x28: {  	s31 =	simm.s32 $0x60;
	v18 =	vadd.s32 s29, v0;
	v12 =	vld.idx.msk [tilespmem:v13+s2+$0x0], $0xffff  }
0x29: {  	s30 =	simm.s32 $0x50;
	v19 =	vadd.s32 s31, v0;
	v14 =	vld.idx.msk [tilespmem:v14+s2+$0x0], $0xffff  }
0x2a: {  	s26 =	simm.s32 $0x100;
	v13 =	vadd.s32 s30, v0;
	v15 =	vld.idx.msk [tilespmem:v15+s2+$0x0], $0xffff  }
0x2b: {  	v21 =	vadd.s32 s26, v0;
	v16 =	vld.idx.msk [tilespmem:v16+s2+$0x0], $0xffff  }
0x2c: {  	s26 =	simm.s32 $0xA0;
	v17 =	vld.idx.msk [tilespmem:v17+s2+$0x0], $0xffff  }
0x2d: {  	s28 =	simm.s32 $0xF0;
	v23 =	vadd.s32 s26, v0;
	v24 =	vld.idx.msk [tilespmem:v18+s2+$0x0], $0xffff  }
0x2e: {  	s24 =	simm.s32 $0x4040;
	s29 =	simm.s32 $0xB0;
	v22 =	vadd.s32 s28, v0;
	v20 =	vld.idx.msk [tilespmem:v19+s2+$0x0], $0xffff  }
0x2f: {  	v25 =	vadd.s32 s29, v0;
	s29 =	simm.s32 $0x90;
	v26 =	vld.idx.msk [tilespmem:v13+s2+$0x0], $0xffff;
	[tilespmem:s24+$0x30] =	vst v14  }
0x30: {  	s30 =	simm.s32 $0xC0;
	[tilespmem:s24+$0xFFFFFFE0] =	vst v15;
	v13 =	vld.idx.msk [tilespmem:v21+s2+$0x0], $0xffff;
	v21 =	vadd.s32 s29, v0  }
0x31: {  	s31 =	simm.s32 $0xD0;
	[tilespmem:s24+$0xFFFFFFF0] =	vst v16;
	v16 =	vadd.s32 s30, v0  }
0x32: {  	s28 =	simm.s32 $0xE0;
	v18 =	vld.idx.msk [tilespmem:v23+s2+$0x0], $0xffff;
	[tilespmem:s24+$0xFFFFFFD0] =	vst v17;
	v17 =	vadd.s32 s31, v0  }
0x33: {  	v14 =	vld.idx.msk [tilespmem:v22+s2+$0x0], $0xffff;
	[tilespmem:s24+$0x0] =	vst v24;
	v15 =	vadd.s32 s28, v0  }
0x34: {  	s25 =	simm.s32 $0x9;
	s26 =	simm.s32 $0x180;
	v19 =	vld.idx.msk [tilespmem:v25+s2+$0x0], $0xffff;
	[tilespmem:s24+$0x10] =	vst v26  }
.LBB2_2:
0x35: {  	s28 =	sadd.s32 $0xFFFFFFA0, s26;
	s29 =	sadd.s32 $0xFFFFFFF0, s26;
	v22 =	vadd.s32 s26, v0;
	s25 =	sadd.s32 $0x8, s25;
	v23 =	vld.idx.msk [tilespmem:v21+s2+$0x0], $0xffff;
	[tilespmem:s24+$0x20] =	vst v20  }
0x36: {  	s30 =	sadd.s32 $0xFFFFFFC0, s26;
	v24 =	vadd.s32 s28, v0;
	s28 =	sadd.s32 $0xFFFFFFB0, s26;
	v25 =	vadd.s32 s29, v0;
	p0 =	slt.u32 s25, $0xF1;
	v26 =	vld.idx.msk [tilespmem:v16+s2+$0x0], $0xffff;
	[tilespmem:s24+$0x40] =	vst v12  }
0x37: {  	v16 =	vadd.s32 s30, v0;
	s29 =	sadd.s32 $0xFFFFFFE0, s26;
	s24 =	sadd.s32 $0x80, s24;
	v12 =	vmov v13;
	v27 =	vadd.s32 s28, v0;
	s28 =	sadd.s32 $0xFFFFFFD0, s26;
	v28 =	vld.idx.msk [tilespmem:v17+s2+$0x0], $0xffff  }
0x38: {  	s30 =	sadd.s32 $0xFFFFFF90, s26;
	v17 =	vadd.s32 s28, v0;
	v20 =	vld.idx.msk [tilespmem:v15+s2+$0x0], $0xffff;
	v15 =	vadd.s32 s29, v0;
	[tilespmem:s24+$0x30] =	vst v14  }
.Ltmp0:
0x39: {  	v21 =	vadd.s32 s30, v0;
	[tilespmem:s24+$0xFFFFFFE0] =	vst v18;
	(pc) =	sbr.rel @p0 .LBB2_2-.Ltmp0, $4  }
0x3a: {  	v13 =	vld.idx.msk [tilespmem:v22+s2+$0x0], $0xffff;
	[tilespmem:s24+$0xFFFFFFF0] =	vst v19  }
0x3b: {  	v14 =	vld.idx.msk [tilespmem:v25+s2+$0x0], $0xffff;
	[tilespmem:s24+$0xFFFFFFD0] =	vst v23  }
0x3c: {  	v18 =	vld.idx.msk [tilespmem:v24+s2+$0x0], $0xffff;
	[tilespmem:s24+$0x0] =	vst v26  }
0x3d: {  	s26 =	sadd.s32 $0x80, s26;
	v19 =	vld.idx.msk [tilespmem:v27+s2+$0x0], $0xffff;
	[tilespmem:s24+$0x10] =	vst v28  }
0x3e: {  	_ =	sdelay $0x2  }
0x3f: {  	[tilespmem:s24+$0x20] =	vst v20  }
0x40: {  	v21 =	vld.idx.msk [tilespmem:v21+s2+$0x0], $0xffff;
	[tilespmem:s24+$0x40] =	vst v12;
	s26 =	sadd.s32 $0x80, s24  }
0x41: {  	v16 =	vld.idx.msk [tilespmem:v16+s2+$0x0], $0xffff;
	[tilespmem:s26+$0x40] =	vst v13  }
0x42: {  	v62 =	vld.idx.msk [tilespmem:v17+s2+$0x0], $0xffff;
	[tilespmem:s26+$0x30] =	vst v14  }
0x43: {  	v63 =	vld.idx.msk [tilespmem:v15+s2+$0x0], $0xffff;
	[tilespmem:s26+$0xFFFFFFE0] =	vst v18  }
0x44: {  	[tilespmem:s26+$0xFFFFFFF0] =	vst v19  }
0x45: {  	[tilespmem:s26+$0xFFFFFFD0] =	vst v21  }
0x46: {  	[tilespmem:s26+$0x0] =	vst v16  }
0x47: {  	[tilespmem:s26+$0x10] =	vst v62  }
0x48: {  	s24 =	simm.s32 $0xF90;
	s25 =	simm.s32 $0x4F90;
	[tilespmem:s26+$0x20] =	vst v63  }
.LBB2_4:
0x49: {  	v12 =	vadd.s32 s24, v0;
	_ =	sdelay $0x4  }
0x4a: {  	p0 =	sne.s32 s24, $0xFF0;
	v12 =	vld.idx.msk [tilespmem:v12+s2+$0x0], $0xffff  }
.Ltmp1:
0x4b: {  	_ = 	snop;
	(pc) =	sbr.rel @p0 .LBB2_4-.Ltmp1, $2  }
0x4c: {  	_ =	sdelay $0x2  }
0x4d: {  	s24 =	sadd.s32 $0x10, s24;
	[tilespmem:s25+$0x0] =	vst v12;
	s25 =	sadd.s32 $0x10, s25  }
0x4e: {  	_ =	sdelay $0x3  }
0x4f: {  	v12 =	vld.idx.msk [tilespmem:v3+s2+$0x0], $0xffff;
	_ =	sdelay $0x4  }
0x50: {  	v12 =	vnsel vm2, $0x45000000, v12  }
0x51: {  	s24 =	simm.s32 $0x80;
	[tilespmem:$0x4FF8] =	vst v12  }
0x52: {  	[hbm4b:s7+s24] =	stream.strided.scatter [tilespmem:s17], [sflag:$0x2], $0x1080, s12, s24, $0x38;
	[tilespmem:$0x8200] =	vst v63  }
0x53: {  	_ =	swait.ge [sflag:s16], $0x1000  }
0x54: {  	[sflag:s16] =	ssyncset.done $0x0  }
0x55: {  	[sflag:s16] =	ssyncadd.s32 $0xFFFFF000  }
0x56: {  	v12 =	vld.idx.msk [tilespmem:v4+s13+$0x0], $0xffff;
	_ =	sdelay $0x1  }
0x57: {  	s25 =	simm.s32 $0x70;
	v13 =	vadd.s32 s24, v1  }
0x58: {  	s31 =	simm.s32 $0x20;
	v14 =	vadd.s32 s25, v1  }
0x59: {  	s26 =	simm.s32 $0x30;
	v15 =	vadd.s32 s31, v1  }
0x5a: {  	s28 =	simm.s32 $0x10;
	v16 =	vadd.s32 s26, v1;
	v12 =	vnsel vm1, $0x45000000, v12  }
0x5b: {  	s29 =	simm.s32 $0x40;
	v17 =	vadd.s32 s28, v1;
	[tilespmem:$0x5080] =	vst v12  }
0x5c: {  	v18 =	vadd.s32 s29, v1;
	s31 =	simm.s32 $0x60;
	v12 =	vld.idx.msk [tilespmem:v13+s13+$0x0], $0xffff  }
0x5d: {  	s30 =	simm.s32 $0x50;
	v19 =	vadd.s32 s31, v1;
	v14 =	vld.idx.msk [tilespmem:v14+s13+$0x0], $0xffff  }
0x5e: {  	s26 =	simm.s32 $0x100;
	v13 =	vadd.s32 s30, v1;
	v15 =	vld.idx.msk [tilespmem:v15+s13+$0x0], $0xffff  }
0x5f: {  	v21 =	vadd.s32 s26, v1;
	v16 =	vld.idx.msk [tilespmem:v16+s13+$0x0], $0xffff  }
0x60: {  	s26 =	simm.s32 $0xA0;
	v17 =	vld.idx.msk [tilespmem:v17+s13+$0x0], $0xffff  }
0x61: {  	s28 =	simm.s32 $0xF0;
	v23 =	vadd.s32 s26, v1;
	v24 =	vld.idx.msk [tilespmem:v18+s13+$0x0], $0xffff  }
0x62: {  	s29 =	simm.s32 $0xB0;
	v22 =	vadd.s32 s28, v1;
	s24 =	simm.s32 $0x50C0;
	v20 =	vld.idx.msk [tilespmem:v19+s13+$0x0], $0xffff  }
0x63: {  	v25 =	vadd.s32 s29, v1;
	s29 =	simm.s32 $0x90;
	v26 =	vld.idx.msk [tilespmem:v13+s13+$0x0], $0xffff;
	[tilespmem:s24+$0x30] =	vst v14  }
0x64: {  	s30 =	simm.s32 $0xC0;
	[tilespmem:s24+$0xFFFFFFE0] =	vst v15;
	v13 =	vld.idx.msk [tilespmem:v21+s13+$0x0], $0xffff;
	v21 =	vadd.s32 s29, v1  }
0x65: {  	s31 =	simm.s32 $0xD0;
	[tilespmem:s24+$0xFFFFFFF0] =	vst v16;
	v16 =	vadd.s32 s30, v1  }
0x66: {  	s28 =	simm.s32 $0xE0;
	v18 =	vld.idx.msk [tilespmem:v23+s13+$0x0], $0xffff;
	[tilespmem:s24+$0xFFFFFFD0] =	vst v17;
	v17 =	vadd.s32 s31, v1  }
0x67: {  	v14 =	vld.idx.msk [tilespmem:v22+s13+$0x0], $0xffff;
	[tilespmem:s24+$0x0] =	vst v24;
	v15 =	vadd.s32 s28, v1  }
0x68: {  	s25 =	simm.s32 $0x9;
	s26 =	simm.s32 $0x180;
	v19 =	vld.idx.msk [tilespmem:v25+s13+$0x0], $0xffff;
	[tilespmem:s24+$0x10] =	vst v26  }
.LBB2_6:
0x69: {  	s28 =	sadd.s32 $0xFFFFFFA0, s26;
	s29 =	sadd.s32 $0xFFFFFFF0, s26;
	v22 =	vadd.s32 s26, v1;
	s25 =	sadd.s32 $0x8, s25;
	v23 =	vld.idx.msk [tilespmem:v21+s13+$0x0], $0xffff;
	[tilespmem:s24+$0x20] =	vst v20  }
0x6a: {  	s30 =	sadd.s32 $0xFFFFFFC0, s26;
	v24 =	vadd.s32 s28, v1;
	s28 =	sadd.s32 $0xFFFFFFB0, s26;
	v25 =	vadd.s32 s29, v1;
	p0 =	slt.u32 s25, $0xF1;
	v26 =	vld.idx.msk [tilespmem:v16+s13+$0x0], $0xffff;
	[tilespmem:s24+$0x40] =	vst v12  }
0x6b: {  	v16 =	vadd.s32 s30, v1;
	s29 =	sadd.s32 $0xFFFFFFE0, s26;
	s24 =	sadd.s32 $0x80, s24;
	v12 =	vmov v13;
	v27 =	vadd.s32 s28, v1;
	s28 =	sadd.s32 $0xFFFFFFD0, s26;
	v28 =	vld.idx.msk [tilespmem:v17+s13+$0x0], $0xffff  }
0x6c: {  	s30 =	sadd.s32 $0xFFFFFF90, s26;
	v17 =	vadd.s32 s28, v1;
	v20 =	vld.idx.msk [tilespmem:v15+s13+$0x0], $0xffff;
	v15 =	vadd.s32 s29, v1;
	[tilespmem:s24+$0x30] =	vst v14  }
.Ltmp2:
0x6d: {  	v21 =	vadd.s32 s30, v1;
	[tilespmem:s24+$0xFFFFFFE0] =	vst v18;
	(pc) =	sbr.rel @p0 .LBB2_6-.Ltmp2, $4  }
0x6e: {  	v13 =	vld.idx.msk [tilespmem:v22+s13+$0x0], $0xffff;
	[tilespmem:s24+$0xFFFFFFF0] =	vst v19  }
0x6f: {  	v14 =	vld.idx.msk [tilespmem:v25+s13+$0x0], $0xffff;
	[tilespmem:s24+$0xFFFFFFD0] =	vst v23  }
0x70: {  	v18 =	vld.idx.msk [tilespmem:v24+s13+$0x0], $0xffff;
	[tilespmem:s24+$0x0] =	vst v26  }
0x71: {  	s26 =	sadd.s32 $0x80, s26;
	v19 =	vld.idx.msk [tilespmem:v27+s13+$0x0], $0xffff;
	[tilespmem:s24+$0x10] =	vst v28  }
0x72: {  	_ =	sdelay $0x2  }
0x73: {  	[tilespmem:s24+$0x20] =	vst v20  }
0x74: {  	v21 =	vld.idx.msk [tilespmem:v21+s13+$0x0], $0xffff;
	[tilespmem:s24+$0x40] =	vst v12;
	s26 =	sadd.s32 $0x80, s24  }
0x75: {  	v16 =	vld.idx.msk [tilespmem:v16+s13+$0x0], $0xffff;
	[tilespmem:s26+$0x40] =	vst v13  }
0x76: {  	v62 =	vld.idx.msk [tilespmem:v17+s13+$0x0], $0xffff;
	[tilespmem:s26+$0x30] =	vst v14  }
0x77: {  	v63 =	vld.idx.msk [tilespmem:v15+s13+$0x0], $0xffff;
	[tilespmem:s26+$0xFFFFFFE0] =	vst v18  }
0x78: {  	[tilespmem:s26+$0xFFFFFFF0] =	vst v19  }
0x79: {  	[tilespmem:s26+$0xFFFFFFD0] =	vst v21  }
0x7a: {  	[tilespmem:s26+$0x0] =	vst v16  }
0x7b: {  	[tilespmem:s26+$0x10] =	vst v62  }
0x7c: {  	s24 =	simm.s32 $0xF90;
	s25 =	simm.s32 $0x6010;
	[tilespmem:s26+$0x20] =	vst v63  }
.LBB2_8:
0x7d: {  	v12 =	vadd.s32 s24, v1;
	_ =	sdelay $0x4  }
0x7e: {  	p0 =	sne.s32 s24, $0xFF0;
	v12 =	vld.idx.msk [tilespmem:v12+s13+$0x0], $0xffff  }
.Ltmp3:
0x7f: {  	_ = 	snop;
	(pc) =	sbr.rel @p0 .LBB2_8-.Ltmp3, $2  }
0x80: {  	_ =	sdelay $0x2  }
0x81: {  	s24 =	sadd.s32 $0x10, s24;
	[tilespmem:s25+$0x0] =	vst v12;
	s25 =	sadd.s32 $0x10, s25  }
0x82: {  	_ =	sdelay $0x3  }
0x83: {  	v12 =	vld.idx.msk [tilespmem:v6+s13+$0x0], $0xffff;
	_ =	sdelay $0x4  }
0x84: {  	v12 =	vnsel vm4, $0x45000000, v12  }
0x85: {  	s24 =	simm.s32 $0x80;
	[tilespmem:$0x6078] =	vst v12  }
0x86: {  	[hbm4b:s8+s24] =	stream.strided.scatter [tilespmem:s18], [sflag:$0x2], $0x1080, s12, s24, $0x38;
	[tilespmem:$0x8200] =	vst v63  }
0x87: {  	_ =	swait.ge [sflag:s16], $0x1000  }
0x88: {  	[sflag:s16] =	ssyncset.done $0x0  }
0x89: {  	[sflag:s16] =	ssyncadd.s32 $0xFFFFF000  }
0x8a: {  	v12 =	vld.idx.msk [tilespmem:v8+s14+$0x0], $0xffff;
	_ =	sdelay $0x1  }
0x8b: {  	s25 =	simm.s32 $0x70;
	v13 =	vadd.s32 s24, v5  }
0x8c: {  	s31 =	simm.s32 $0x20;
	v14 =	vadd.s32 s25, v5  }
0x8d: {  	s26 =	simm.s32 $0x30;
	v15 =	vadd.s32 s31, v5  }
0x8e: {  	s28 =	simm.s32 $0x10;
	v16 =	vadd.s32 s26, v5;
	v12 =	vnsel vm3, $0x45000000, v12  }
0x8f: {  	s29 =	simm.s32 $0x40;
	v17 =	vadd.s32 s28, v5;
	[tilespmem:$0x6100] =	vst v12  }
0x90: {  	v18 =	vadd.s32 s29, v5;
	s31 =	simm.s32 $0x60;
	v12 =	vld.idx.msk [tilespmem:v13+s14+$0x0], $0xffff  }
0x91: {  	s30 =	simm.s32 $0x50;
	v19 =	vadd.s32 s31, v5;
	v14 =	vld.idx.msk [tilespmem:v14+s14+$0x0], $0xffff  }
0x92: {  	s26 =	simm.s32 $0x100;
	v13 =	vadd.s32 s30, v5;
	v15 =	vld.idx.msk [tilespmem:v15+s14+$0x0], $0xffff  }
0x93: {  	v21 =	vadd.s32 s26, v5;
	v16 =	vld.idx.msk [tilespmem:v16+s14+$0x0], $0xffff  }
0x94: {  	s26 =	simm.s32 $0xA0;
	v17 =	vld.idx.msk [tilespmem:v17+s14+$0x0], $0xffff  }
0x95: {  	s28 =	simm.s32 $0xF0;
	v23 =	vadd.s32 s26, v5;
	v24 =	vld.idx.msk [tilespmem:v18+s14+$0x0], $0xffff  }
0x96: {  	s29 =	simm.s32 $0xB0;
	v22 =	vadd.s32 s28, v5;
	s24 =	simm.s32 $0x6140;
	v20 =	vld.idx.msk [tilespmem:v19+s14+$0x0], $0xffff  }
0x97: {  	v25 =	vadd.s32 s29, v5;
	s29 =	simm.s32 $0x90;
	v26 =	vld.idx.msk [tilespmem:v13+s14+$0x0], $0xffff;
	[tilespmem:s24+$0x30] =	vst v14  }
0x98: {  	s30 =	simm.s32 $0xC0;
	[tilespmem:s24+$0xFFFFFFE0] =	vst v15;
	v13 =	vld.idx.msk [tilespmem:v21+s14+$0x0], $0xffff;
	v21 =	vadd.s32 s29, v5  }
0x99: {  	s31 =	simm.s32 $0xD0;
	[tilespmem:s24+$0xFFFFFFF0] =	vst v16;
	v16 =	vadd.s32 s30, v5  }
0x9a: {  	s28 =	simm.s32 $0xE0;
	v18 =	vld.idx.msk [tilespmem:v23+s14+$0x0], $0xffff;
	[tilespmem:s24+$0xFFFFFFD0] =	vst v17;
	v17 =	vadd.s32 s31, v5  }
0x9b: {  	v14 =	vld.idx.msk [tilespmem:v22+s14+$0x0], $0xffff;
	[tilespmem:s24+$0x0] =	vst v24;
	v15 =	vadd.s32 s28, v5  }
0x9c: {  	s25 =	simm.s32 $0x9;
	s26 =	simm.s32 $0x180;
	v19 =	vld.idx.msk [tilespmem:v25+s14+$0x0], $0xffff;
	[tilespmem:s24+$0x10] =	vst v26  }
.LBB2_10:
0x9d: {  	s28 =	sadd.s32 $0xFFFFFFA0, s26;
	s29 =	sadd.s32 $0xFFFFFFF0, s26;
	v22 =	vadd.s32 s26, v5;
	s25 =	sadd.s32 $0x8, s25;
	v23 =	vld.idx.msk [tilespmem:v21+s14+$0x0], $0xffff;
	[tilespmem:s24+$0x20] =	vst v20  }
0x9e: {  	s30 =	sadd.s32 $0xFFFFFFC0, s26;
	v24 =	vadd.s32 s28, v5;
	s28 =	sadd.s32 $0xFFFFFFB0, s26;
	v25 =	vadd.s32 s29, v5;
	p0 =	slt.u32 s25, $0xF1;
	v26 =	vld.idx.msk [tilespmem:v16+s14+$0x0], $0xffff;
	[tilespmem:s24+$0x40] =	vst v12  }
0x9f: {  	v16 =	vadd.s32 s30, v5;
	s29 =	sadd.s32 $0xFFFFFFE0, s26;
	s24 =	sadd.s32 $0x80, s24;
	v12 =	vmov v13;
	v27 =	vadd.s32 s28, v5;
	s28 =	sadd.s32 $0xFFFFFFD0, s26;
	v28 =	vld.idx.msk [tilespmem:v17+s14+$0x0], $0xffff  }
0xa0: {  	s30 =	sadd.s32 $0xFFFFFF90, s26;
	v17 =	vadd.s32 s28, v5;
	v20 =	vld.idx.msk [tilespmem:v15+s14+$0x0], $0xffff;
	v15 =	vadd.s32 s29, v5;
	[tilespmem:s24+$0x30] =	vst v14  }
.Ltmp4:
0xa1: {  	v21 =	vadd.s32 s30, v5;
	[tilespmem:s24+$0xFFFFFFE0] =	vst v18;
	(pc) =	sbr.rel @p0 .LBB2_10-.Ltmp4, $4  }
0xa2: {  	v13 =	vld.idx.msk [tilespmem:v22+s14+$0x0], $0xffff;
	[tilespmem:s24+$0xFFFFFFF0] =	vst v19  }
0xa3: {  	v14 =	vld.idx.msk [tilespmem:v25+s14+$0x0], $0xffff;
	[tilespmem:s24+$0xFFFFFFD0] =	vst v23  }
0xa4: {  	v18 =	vld.idx.msk [tilespmem:v24+s14+$0x0], $0xffff;
	[tilespmem:s24+$0x0] =	vst v26  }
0xa5: {  	s26 =	sadd.s32 $0x80, s26;
	v19 =	vld.idx.msk [tilespmem:v27+s14+$0x0], $0xffff;
	[tilespmem:s24+$0x10] =	vst v28  }
0xa6: {  	_ =	sdelay $0x2  }
0xa7: {  	[tilespmem:s24+$0x20] =	vst v20  }
0xa8: {  	v21 =	vld.idx.msk [tilespmem:v21+s14+$0x0], $0xffff;
	[tilespmem:s24+$0x40] =	vst v12;
	s26 =	sadd.s32 $0x80, s24  }
0xa9: {  	v16 =	vld.idx.msk [tilespmem:v16+s14+$0x0], $0xffff;
	[tilespmem:s26+$0x40] =	vst v13  }
0xaa: {  	v62 =	vld.idx.msk [tilespmem:v17+s14+$0x0], $0xffff;
	[tilespmem:s26+$0x30] =	vst v14  }
0xab: {  	v63 =	vld.idx.msk [tilespmem:v15+s14+$0x0], $0xffff;
	[tilespmem:s26+$0xFFFFFFE0] =	vst v18  }
0xac: {  	[tilespmem:s26+$0xFFFFFFF0] =	vst v19  }
0xad: {  	[tilespmem:s26+$0xFFFFFFD0] =	vst v21  }
0xae: {  	[tilespmem:s26+$0x0] =	vst v16  }
0xaf: {  	[tilespmem:s26+$0x10] =	vst v62  }
0xb0: {  	s24 =	simm.s32 $0xF90;
	s25 =	simm.s32 $0x7090;
	[tilespmem:s26+$0x20] =	vst v63  }
.LBB2_12:
0xb1: {  	v12 =	vadd.s32 s24, v5;
	_ =	sdelay $0x4  }
0xb2: {  	p0 =	sne.s32 s24, $0xFF0;
	v12 =	vld.idx.msk [tilespmem:v12+s14+$0x0], $0xffff  }
.Ltmp5:
0xb3: {  	_ = 	snop;
	(pc) =	sbr.rel @p0 .LBB2_12-.Ltmp5, $2  }
0xb4: {  	_ =	sdelay $0x2  }
0xb5: {  	s24 =	sadd.s32 $0x10, s24;
	[tilespmem:s25+$0x0] =	vst v12;
	s25 =	sadd.s32 $0x10, s25  }
0xb6: {  	_ =	sdelay $0x3  }
0xb7: {  	v12 =	vld.idx.msk [tilespmem:v9+s14+$0x0], $0xffff;
	_ =	sdelay $0x4  }
0xb8: {  	v12 =	vnsel vm6, $0x45000000, v12  }
0xb9: {  	s24 =	simm.s32 $0x80;
	[tilespmem:$0x70F8] =	vst v12  }
0xba: {  	[hbm4b:s9+s24] =	stream.strided.scatter [tilespmem:s19], [sflag:$0x2], $0x1080, s12, s24, $0x38;
	[tilespmem:$0x8200] =	vst v63  }
0xbb: {  	_ =	swait.ge [sflag:s16], $0x1000  }
0xbc: {  	[sflag:s16] =	ssyncset.done $0x0  }
0xbd: {  	[sflag:s16] =	ssyncadd.s32 $0xFFFFF000  }
0xbe: {  	v12 =	vld.idx.msk [tilespmem:v10+s15+$0x0], $0xffff;
	_ =	sdelay $0x1  }
0xbf: {  	s25 =	simm.s32 $0x70;
	v13 =	vadd.s32 s24, v7  }
0xc0: {  	s31 =	simm.s32 $0x20;
	v14 =	vadd.s32 s25, v7  }
0xc1: {  	s26 =	simm.s32 $0x30;
	v15 =	vadd.s32 s31, v7  }
0xc2: {  	s28 =	simm.s32 $0x10;
	v16 =	vadd.s32 s26, v7;
	v12 =	vnsel vm5, $0x45000000, v12  }
0xc3: {  	s29 =	simm.s32 $0x40;
	v17 =	vadd.s32 s28, v7;
	[tilespmem:$0x7180] =	vst v12  }
0xc4: {  	v18 =	vadd.s32 s29, v7;
	s31 =	simm.s32 $0x60;
	v12 =	vld.idx.msk [tilespmem:v13+s15+$0x0], $0xffff  }
0xc5: {  	s30 =	simm.s32 $0x50;
	v19 =	vadd.s32 s31, v7;
	v14 =	vld.idx.msk [tilespmem:v14+s15+$0x0], $0xffff  }
0xc6: {  	s26 =	simm.s32 $0x100;
	v13 =	vadd.s32 s30, v7;
	v15 =	vld.idx.msk [tilespmem:v15+s15+$0x0], $0xffff  }
0xc7: {  	v21 =	vadd.s32 s26, v7;
	v16 =	vld.idx.msk [tilespmem:v16+s15+$0x0], $0xffff  }
0xc8: {  	s26 =	simm.s32 $0xA0;
	v17 =	vld.idx.msk [tilespmem:v17+s15+$0x0], $0xffff  }
0xc9: {  	s28 =	simm.s32 $0xF0;
	v23 =	vadd.s32 s26, v7;
	v24 =	vld.idx.msk [tilespmem:v18+s15+$0x0], $0xffff  }
0xca: {  	s29 =	simm.s32 $0xB0;
	v22 =	vadd.s32 s28, v7;
	s24 =	simm.s32 $0x71C0;
	v20 =	vld.idx.msk [tilespmem:v19+s15+$0x0], $0xffff  }
0xcb: {  	v25 =	vadd.s32 s29, v7;
	s29 =	simm.s32 $0x90;
	v26 =	vld.idx.msk [tilespmem:v13+s15+$0x0], $0xffff;
	[tilespmem:s24+$0x30] =	vst v14  }
0xcc: {  	s30 =	simm.s32 $0xC0;
	[tilespmem:s24+$0xFFFFFFE0] =	vst v15;
	v13 =	vld.idx.msk [tilespmem:v21+s15+$0x0], $0xffff;
	v21 =	vadd.s32 s29, v7  }
0xcd: {  	s31 =	simm.s32 $0xD0;
	[tilespmem:s24+$0xFFFFFFF0] =	vst v16;
	v16 =	vadd.s32 s30, v7  }
0xce: {  	s28 =	simm.s32 $0xE0;
	v18 =	vld.idx.msk [tilespmem:v23+s15+$0x0], $0xffff;
	[tilespmem:s24+$0xFFFFFFD0] =	vst v17;
	v17 =	vadd.s32 s31, v7  }
0xcf: {  	v14 =	vld.idx.msk [tilespmem:v22+s15+$0x0], $0xffff;
	[tilespmem:s24+$0x0] =	vst v24;
	v15 =	vadd.s32 s28, v7  }
0xd0: {  	s25 =	simm.s32 $0x9;
	s26 =	simm.s32 $0x180;
	v19 =	vld.idx.msk [tilespmem:v25+s15+$0x0], $0xffff;
	[tilespmem:s24+$0x10] =	vst v26  }
.LBB2_14:
0xd1: {  	s28 =	sadd.s32 $0xFFFFFFA0, s26;
	s29 =	sadd.s32 $0xFFFFFFF0, s26;
	v22 =	vadd.s32 s26, v7;
	s25 =	sadd.s32 $0x8, s25;
	v23 =	vld.idx.msk [tilespmem:v21+s15+$0x0], $0xffff;
	[tilespmem:s24+$0x20] =	vst v20  }
0xd2: {  	s30 =	sadd.s32 $0xFFFFFFC0, s26;
	v24 =	vadd.s32 s28, v7;
	s28 =	sadd.s32 $0xFFFFFFB0, s26;
	v25 =	vadd.s32 s29, v7;
	p0 =	slt.u32 s25, $0xF1;
	v26 =	vld.idx.msk [tilespmem:v16+s15+$0x0], $0xffff;
	[tilespmem:s24+$0x40] =	vst v12  }
0xd3: {  	v16 =	vadd.s32 s30, v7;
	s29 =	sadd.s32 $0xFFFFFFE0, s26;
	s24 =	sadd.s32 $0x80, s24;
	v12 =	vmov v13;
	v27 =	vadd.s32 s28, v7;
	s28 =	sadd.s32 $0xFFFFFFD0, s26;
	v28 =	vld.idx.msk [tilespmem:v17+s15+$0x0], $0xffff  }
0xd4: {  	s30 =	sadd.s32 $0xFFFFFF90, s26;
	v17 =	vadd.s32 s28, v7;
	v20 =	vld.idx.msk [tilespmem:v15+s15+$0x0], $0xffff;
	v15 =	vadd.s32 s29, v7;
	[tilespmem:s24+$0x30] =	vst v14  }
.Ltmp6:
0xd5: {  	v21 =	vadd.s32 s30, v7;
	[tilespmem:s24+$0xFFFFFFE0] =	vst v18;
	(pc) =	sbr.rel @p0 .LBB2_14-.Ltmp6, $4  }
0xd6: {  	v13 =	vld.idx.msk [tilespmem:v22+s15+$0x0], $0xffff;
	[tilespmem:s24+$0xFFFFFFF0] =	vst v19  }
0xd7: {  	v14 =	vld.idx.msk [tilespmem:v25+s15+$0x0], $0xffff;
	[tilespmem:s24+$0xFFFFFFD0] =	vst v23  }
0xd8: {  	v18 =	vld.idx.msk [tilespmem:v24+s15+$0x0], $0xffff;
	[tilespmem:s24+$0x0] =	vst v26  }
0xd9: {  	s26 =	sadd.s32 $0x80, s26;
	v19 =	vld.idx.msk [tilespmem:v27+s15+$0x0], $0xffff;
	[tilespmem:s24+$0x10] =	vst v28  }
0xda: {  	_ =	sdelay $0x2  }
0xdb: {  	[tilespmem:s24+$0x20] =	vst v20  }
0xdc: {  	v21 =	vld.idx.msk [tilespmem:v21+s15+$0x0], $0xffff;
	[tilespmem:s24+$0x40] =	vst v12;
	s26 =	sadd.s32 $0x80, s24  }
0xdd: {  	v16 =	vld.idx.msk [tilespmem:v16+s15+$0x0], $0xffff;
	[tilespmem:s26+$0x40] =	vst v13  }
0xde: {  	v62 =	vld.idx.msk [tilespmem:v17+s15+$0x0], $0xffff;
	[tilespmem:s26+$0x30] =	vst v14  }
0xdf: {  	v63 =	vld.idx.msk [tilespmem:v15+s15+$0x0], $0xffff;
	[tilespmem:s26+$0xFFFFFFE0] =	vst v18  }
0xe0: {  	[tilespmem:s26+$0xFFFFFFF0] =	vst v19  }
0xe1: {  	[tilespmem:s26+$0xFFFFFFD0] =	vst v21  }
0xe2: {  	[tilespmem:s26+$0x0] =	vst v16  }
0xe3: {  	[tilespmem:s26+$0x10] =	vst v62  }
0xe4: {  	s24 =	simm.s32 $0xF90;
	s25 =	simm.s32 $0x8110;
	[tilespmem:s26+$0x20] =	vst v63  }
.LBB2_16:
0xe5: {  	v12 =	vadd.s32 s24, v7;
	_ =	sdelay $0x4  }
0xe6: {  	p0 =	sne.s32 s24, $0xFF0;
	v12 =	vld.idx.msk [tilespmem:v12+s15+$0x0], $0xffff  }
.Ltmp7:
0xe7: {  	_ = 	snop;
	(pc) =	sbr.rel @p0 .LBB2_16-.Ltmp7, $2  }
0xe8: {  	_ =	sdelay $0x2  }
0xe9: {  	s24 =	sadd.s32 $0x10, s24;
	[tilespmem:s25+$0x0] =	vst v12;
	s25 =	sadd.s32 $0x10, s25  }
0xea: {  	_ =	sdelay $0x3  }
0xeb: {  	v12 =	vld.idx.msk [tilespmem:v11+s15+$0x0], $0xffff;
	_ =	sdelay $0x4  }
0xec: {  	v12 =	vnsel vm7, $0x45000000, v12  }
0xed: {  	[tilespmem:$0x8178] =	vst v12  }
0xee: {  	[hbm4b:s10+s20] =	stream.strided.scatter [tilespmem:s21], [sflag:$0x2], $0x1080, s12, s20, $0x38;
	[tilespmem:$0x8200] =	vst v63  }
0xef: {  	_ =	swait.ge [sflag:s22], $0x1080  }
0xf0: {  	[sflag:s22] =	ssyncset.done $0x0  }
0xf1: {  	[sflag:s22] =	ssyncadd.s32 $0xFFFFEF80  }
0xf2: {  	_ =	swait.ge [sflag:s22], $0x1080  }
0xf3: {  	[sflag:s22] =	ssyncset.done $0x0  }
0xf4: {  	s23 =	sadd.s32 $0x1, s23;
	[sflag:s22] =	ssyncadd.s32 $0xFFFFEF80  }
0xf5: {  	p0 =	sne.s32 s23, s11;
	_ =	swait.ge [sflag:s22], $0x1080  }
.Ltmp8:
0xf6: {  	[sflag:s22] =	ssyncset.done $0x0;
	(pc) =	sbr.rel @p0 .LBB2_1-.Ltmp8, $4  }
0xf7: {  	[sflag:s22] =	ssyncadd.s32 $0xFFFFEF80  }
0xf8: {  	_ =	swait.ge [sflag:s22], $0x1080  }
0xf9: {  	[sflag:s22] =	ssyncset.done $0x0  }
0xfa: {  	[sflag:s22] =	ssyncadd.s32 $0xFFFFEF80  }
0xfb: {  	_ =	sfence.sel $0x180000  }
0xfc: {  	[bflag:$0x0] =	sbarrier.arrive $0xFFFF  }
0xfd: {  	p0 =	sne.s32 s1, $0x0;
	_ =	strace $0x90000047  }
0xfe: {  	s0 =	sadd.s32 @!p0 $0x100000, s0;
	[bflag:$0x2] =	sbarrier.arrive $0xFFFF  }
0xff: {  	[sflag:s0] =	ssyncadd.tile.s32 @!p0 $0x1;
	_ =	shalt  }
.Lfunc_end2:
_tile_overlayer_lowered:
.L_overlay_start_2:
0x100: {  	(tag) =	ssettag $0x2  }
0x101: {  	s0 =	rddreg [dreg:$0x0];
	s2 =	stileid.u32  }
0x102: {  	s1 =	rddreg [dreg:$0x1];
	p0 =	sne.s32 s2, $0x0  }
0x103: {  	s3 =	rddreg [dreg:$0x2];
	[bflag:$0x3] =	sbarrier.arrive $0xFFFF;
	s2 =	simm.s32 @!p0 $0x1C03  }
0x104: {  	[timem:s3], [sflag:s2] =	dma.local @!p0 [hbm:s0], s1  }
0x105: {  	s0 =	simm.s32 @!p0 $0x3  }
0x106: {  	_ =	swait.ge @!p0 [sflag:s0], s1  }
0x107: {  	s1 =	ssub.s32 @!p0 $0x0, s1;
	[sflag:s0] =	ssyncset.done @!p0 $0x0  }
0x108: {  	[sflag:s0] =	ssyncadd.s32 @!p0 s1  }
0x109: {  	[bflag:$0x3] =	sbarrier.arrive $0xFFFF  }
0x10a: {  	_ =	shalt  }

</sc_bundles>
